<compile_context>
chip_gen: v7x
topology: tpu7x:2x2x1
jax: 0.10.2.dev20260603
libtpu: 0.0.44.dev20260713+nightly
codegen_flags: <defaults>
</compile_context>

<pallas_src>
import jax
import jax.numpy as jnp
from jax.experimental import pallas as pl
from jax.experimental.pallas import tpu as pltpu
from jax.experimental.pallas import tpu_sc as plsc

EMBED_DIM = 64
HIST = 50
SCALE = 8.0
LANES = 16

NC, NS = 2, 16
NW = NC * NS
IPC = 2 * HIST
XPC = 2
NBUF = 2


def _sc_gather_scale(padded_table, idx, batch):
    num_rows = idx.shape[0]
    cpw = num_rows // NW
    pd = padded_table.shape[1]

    mesh = plsc.VectorSubcoreMesh(core_axis_name="c", subcore_axis_name="s")

    @pl.kernel(
        out_type=jax.ShapeDtypeStruct((batch, HIST, EMBED_DIM), jnp.float32),
        mesh=mesh,
        scratch_types=[
            pltpu.VMEM((cpw, IPC), jnp.int32),
            pltpu.VMEM((NBUF, IPC, pd), jnp.float32),
            pltpu.VMEM((NBUF, XPC, HIST, EMBED_DIM), jnp.float32),
            pltpu.SemaphoreType.DMA((NBUF,)),
            pltpu.SemaphoreType.DMA((NBUF,)),
        ],
        compiler_params=pltpu.CompilerParams(use_tc_tiling_on_sc=True),
    )
    def k(tab_hbm, i_hbm, o_hbm, idx_v, in_v, out_v, gsem, wsem):
        wid = jax.lax.axis_index("s") * NC + jax.lax.axis_index("c")

        pltpu.sync_copy(i_hbm.at[pl.ds(wid * cpw, cpw)], idx_v)

        def start_gather(cc, b):
            pltpu.async_copy(
                tab_hbm.at[idx_v.at[cc]], in_v.at[b], gsem.at[b]
            )

        def wait_gather(cc, b):
            pltpu.make_async_copy(
                tab_hbm.at[idx_v.at[cc]], in_v.at[b], gsem.at[b]
            ).wait()

        def scale(b):
            for s in range(XPC):
                @pl.loop(0, HIST)
                def _(rr):
                    for c in range(0, EMBED_DIM, LANES):
                        out_v.at[b, s, rr, pl.ds(c, LANES)][...] = (
                            in_v.at[b, s * HIST + rr, pl.ds(c, LANES)][...]
                            * SCALE
                        )

        def write_dst(cc):
            return o_hbm.at[pl.ds((wid * cpw + cc) * XPC, XPC)]

        for b in range(NBUF):
            start_gather(b, b)
        for b in range(NBUF):
            wait_gather(b, b)
            scale(b)
            pltpu.async_copy(out_v.at[b], write_dst(b), wsem.at[b])
            start_gather(NBUF + b, b)

        @pl.loop(1, cpw // NBUF)
        def _(r):
            for b in range(NBUF):
                cc = r * NBUF + b
                wait_gather(cc, b)
                pltpu.make_async_copy(
                    out_v.at[b], write_dst(cc - NBUF), wsem.at[b]
                ).wait()
                scale(b)
                pltpu.async_copy(out_v.at[b], write_dst(cc), wsem.at[b])

                @pl.when(cc + NBUF < cpw)
                def _():
                    start_gather(cc + NBUF, b)

        for b in range(NBUF):
            pltpu.make_async_copy(
                out_v.at[b], write_dst(cpw - NBUF + b), wsem.at[b]
            ).wait()

    return k(padded_table, idx)


def kernel(x, table):
    b, h = x.shape
    v, d = table.shape
    idx = x.astype(jnp.int32).reshape(b * h // IPC, IPC)
    padded_table = jnp.concatenate([table, table], axis=1)
    return _sc_gather_scale(padded_table, idx, b)

# --- scband reference (transcript-rebuilt; emitter-appended) ---
"""Pipeline reference for scband-embeddings-45372034515170 (READ-ONLY COPY).

The authoritative reference and input builder live on the scoring server;
editing this copy changes nothing except your own understanding.
"""

import jax, jax.numpy as jnp
import numpy as np

VOCAB = 1000000
EMBED_DIM = 64
BATCH = 16384
HIST = 50

def setup_inputs(seed: int = 0) -> dict:
    key = jax.random.key(seed)
    k_idx, k_tab = jax.random.split(key)
    x = jax.random.randint(k_idx, (BATCH, HIST), 0, VOCAB, dtype=jnp.int64 if jax.config.jax_enable_x64 else jnp.int32)
    table = jax.random.normal(k_tab, (VOCAB, EMBED_DIM), dtype=jnp.float32)
    return {"x": x, "table": table}

def reference(x, table):
    # Embedding lookup scaled by sqrt(embed_dim), faithful to the torch module
    emb = jnp.take(table, x, axis=0)
    return emb * jnp.sqrt(jnp.asarray(EMBED_DIM, dtype=jnp.float32))

if __name__ == "__main__":
    import jax
    _d = setup_inputs()
    print(jax.jit(kernel)(*tuple(_d.values())))

</pallas_src>

<mosaic_0001>
#map = affine_map<(d0, d1) -> (0, 0)>
#map1 = affine_map<(d0, d1) -> (0, 0, 0)>
module attributes {stable_mosaic.version = 14 : i64} {
  func.func @k(%arg0: i32, %arg1: i32, %arg2: memref<1000000x128xf32, #tpu.memory_space<hbm>>, %arg3: memref<8192x100xi32, #tpu.memory_space<hbm>>, %arg4: memref<16384x50x64xf32, #tpu.memory_space<hbm>>, %arg5: memref<256x100xi32, #tpu.memory_space<vmem>>, %arg6: memref<2x100x128xf32, #tpu.memory_space<vmem>>, %arg7: memref<2x2x50x64xf32, #tpu.memory_space<vmem>>, %arg8: memref<2x!tpu.dma_semaphore, #tpu.memory_space<semaphore_mem>>, %arg9: memref<2x!tpu.dma_semaphore, #tpu.memory_space<semaphore_mem>>) attributes {dimension_semantics = [#tpu.dimension_semantics<core_parallel>, #tpu.dimension_semantics<subcore_parallel>], iteration_bounds = array<i64: 2, 16>, scalar_prefetch = 0 : i64, scratch_operands = 5 : i64, tpu.core_type = #tpu.core_type<sc_vector_subcore>, window_params = [{transform_indices = #map}, {transform_indices = #map}, {transform_indices = #map1}]} {
    %mul3A = arith.constant 2 : i32
    %mul3A_0 = arith.muli %arg1, %mul3A : i32
    %add3A = arith.addi %mul3A_0, %arg0 : i32
    %mul3A_1 = arith.constant 256 : i32
    %mul3A_2 = arith.muli %add3A, %mul3A_1 : i32
    "tpu.region"() ({
      %run_scoped3A = tpu.sem_alloc : memref<!tpu.dma_semaphore, #tpu.memory_space<semaphore_mem>>
      %dma_start3A_219 = arith.constant 0 : i32
      %dma_start3A_220 = tpu.memref_slice %arg3[%mul3A_2, %dma_start3A_219] : memref<8192x100xi32, #tpu.memory_space<hbm>> -> memref<256x100xi32, #tpu.memory_space<hbm>>
      %dma_start3A_221 = arith.constant 0 : i32
      %dma_start3A_222 = tpu.memref_slice %arg3[%mul3A_2, %dma_start3A_221] : memref<8192x100xi32, #tpu.memory_space<hbm>> -> memref<256x100xi32, #tpu.memory_space<hbm>>
      tpu.enqueue_dma source(%dma_start3A_222 : memref<256x100xi32, #tpu.memory_space<hbm>>) target(%arg5 : memref<256x100xi32, #tpu.memory_space<vmem>>) target_semaphore(%run_scoped3A : memref<!tpu.dma_semaphore, #tpu.memory_space<semaphore_mem>>)
      %dma_wait3A_223 = arith.constant 0 : i32
      %dma_wait3A_224 = tpu.memref_slice %arg3[%mul3A_2, %dma_wait3A_223] : memref<8192x100xi32, #tpu.memory_space<hbm>> -> memref<256x100xi32, #tpu.memory_space<hbm>>
      %dma_wait3A_225 = arith.constant 0 : i32
      %dma_wait3A_226 = tpu.memref_slice %arg3[%mul3A_2, %dma_wait3A_225] : memref<8192x100xi32, #tpu.memory_space<hbm>> -> memref<256x100xi32, #tpu.memory_space<hbm>>
      tpu.wait_dma2 semaphore(%run_scoped3A : memref<!tpu.dma_semaphore, #tpu.memory_space<semaphore_mem>>) src(%dma_wait3A_226 : memref<256x100xi32, #tpu.memory_space<hbm>>) dst(%arg5 : memref<256x100xi32, #tpu.memory_space<vmem>>)
      tpu.yield
    }) : () -> ()
    %dma_start3A = arith.constant 0 : i32
    %dma_start3A_3 = arith.constant 0 : i32
    %dma_start3A_4 = arith.constant 0 : i32
    %dma_start3A_5 = arith.constant 0 : i32
    %dma_start3A_6 = arith.constant 0 : i32
    %dma_start3A_7 = tpu.memref_slice %arg6[%dma_start3A_3, %dma_start3A_5, %dma_start3A_6] : memref<2x100x128xf32, #tpu.memory_space<vmem>> -> memref<1x100x128xf32, #tpu.memory_space<vmem>>
    %dma_start3A_8 = tpu.memref_squeeze %dma_start3A_7 : memref<1x100x128xf32, #tpu.memory_space<vmem>> -> memref<100x128xf32, #tpu.memory_space<vmem>>
    %dma_start3A_9 = arith.constant 0 : i32
    %dma_start3A_10 = tpu.memref_slice %arg5[%dma_start3A, %dma_start3A_9] : memref<256x100xi32, #tpu.memory_space<vmem>> -> memref<1x100xi32, #tpu.memory_space<vmem>>
    %dma_start3A_11 = tpu.memref_squeeze %dma_start3A_10 : memref<1x100xi32, #tpu.memory_space<vmem>> -> memref<100xi32, #tpu.memory_space<vmem>>
    %dma_start3A_12 = arith.constant 0 : i32
    %dma_start3A_13 = arith.constant 0 : i32
    %dma_start3A_14 = tpu.memref_slice %arg2[%dma_start3A_12, %dma_start3A_13] : memref<1000000x128xf32, #tpu.memory_space<hbm>> -> memref<1000000x128xf32, #tpu.memory_space<hbm>>
    %dma_start3A_15 = tpu.memref_slice %arg8[%dma_start3A_4] : memref<2x!tpu.dma_semaphore, #tpu.memory_space<semaphore_mem>> -> memref<1x!tpu.dma_semaphore, #tpu.memory_space<semaphore_mem>>
    %dma_start3A_16 = tpu.memref_squeeze %dma_start3A_15 : memref<1x!tpu.dma_semaphore, #tpu.memory_space<semaphore_mem>> -> memref<!tpu.dma_semaphore, #tpu.memory_space<semaphore_mem>>
    tpu.enqueue_indirect_dma source(%dma_start3A_14 : memref<1000000x128xf32, #tpu.memory_space<hbm>>) target(%dma_start3A_8 : memref<100x128xf32, #tpu.memory_space<vmem>>) offsets(%dma_start3A_11 : memref<100xi32, #tpu.memory_space<vmem>>) semaphore(%dma_start3A_16 : memref<!tpu.dma_semaphore, #tpu.memory_space<semaphore_mem>>)
    %dma_start3A_17 = arith.constant 1 : i32
    %dma_start3A_18 = arith.constant 1 : i32
    %dma_start3A_19 = arith.constant 1 : i32
    %dma_start3A_20 = arith.constant 0 : i32
    %dma_start3A_21 = arith.constant 0 : i32
    %dma_start3A_22 = tpu.memref_slice %arg6[%dma_start3A_18, %dma_start3A_20, %dma_start3A_21] : memref<2x100x128xf32, #tpu.memory_space<vmem>> -> memref<1x100x128xf32, #tpu.memory_space<vmem>>
    %dma_start3A_23 = tpu.memref_squeeze %dma_start3A_22 : memref<1x100x128xf32, #tpu.memory_space<vmem>> -> memref<100x128xf32, #tpu.memory_space<vmem>>
    %dma_start3A_24 = arith.constant 0 : i32
    %dma_start3A_25 = tpu.memref_slice %arg5[%dma_start3A_17, %dma_start3A_24] : memref<256x100xi32, #tpu.memory_space<vmem>> -> memref<1x100xi32, #tpu.memory_space<vmem>>
    %dma_start3A_26 = tpu.memref_squeeze %dma_start3A_25 : memref<1x100xi32, #tpu.memory_space<vmem>> -> memref<100xi32, #tpu.memory_space<vmem>>
    %dma_start3A_27 = arith.constant 0 : i32
    %dma_start3A_28 = arith.constant 0 : i32
    %dma_start3A_29 = tpu.memref_slice %arg2[%dma_start3A_27, %dma_start3A_28] : memref<1000000x128xf32, #tpu.memory_space<hbm>> -> memref<1000000x128xf32, #tpu.memory_space<hbm>>
    %dma_start3A_30 = tpu.memref_slice %arg8[%dma_start3A_19] : memref<2x!tpu.dma_semaphore, #tpu.memory_space<semaphore_mem>> -> memref<1x!tpu.dma_semaphore, #tpu.memory_space<semaphore_mem>>
    %dma_start3A_31 = tpu.memref_squeeze %dma_start3A_30 : memref<1x!tpu.dma_semaphore, #tpu.memory_space<semaphore_mem>> -> memref<!tpu.dma_semaphore, #tpu.memory_space<semaphore_mem>>
    tpu.enqueue_indirect_dma source(%dma_start3A_29 : memref<1000000x128xf32, #tpu.memory_space<hbm>>) target(%dma_start3A_23 : memref<100x128xf32, #tpu.memory_space<vmem>>) offsets(%dma_start3A_26 : memref<100xi32, #tpu.memory_space<vmem>>) semaphore(%dma_start3A_31 : memref<!tpu.dma_semaphore, #tpu.memory_space<semaphore_mem>>)
    %dma_wait3A = arith.constant 0 : i32
    %dma_wait3A_32 = arith.constant 0 : i32
    %dma_wait3A_33 = arith.constant 0 : i32
    %dma_wait3A_34 = arith.constant 0 : i32
    %dma_wait3A_35 = arith.constant 0 : i32
    %dma_wait3A_36 = tpu.memref_slice %arg6[%dma_wait3A_32, %dma_wait3A_34, %dma_wait3A_35] : memref<2x100x128xf32, #tpu.memory_space<vmem>> -> memref<1x100x128xf32, #tpu.memory_space<vmem>>
    %dma_wait3A_37 = tpu.memref_squeeze %dma_wait3A_36 : memref<1x100x128xf32, #tpu.memory_space<vmem>> -> memref<100x128xf32, #tpu.memory_space<vmem>>
    %dma_wait3A_38 = arith.constant 0 : i32
    %dma_wait3A_39 = tpu.memref_slice %arg5[%dma_wait3A, %dma_wait3A_38] : memref<256x100xi32, #tpu.memory_space<vmem>> -> memref<1x100xi32, #tpu.memory_space<vmem>>
    %dma_wait3A_40 = tpu.memref_squeeze %dma_wait3A_39 : memref<1x100xi32, #tpu.memory_space<vmem>> -> memref<100xi32, #tpu.memory_space<vmem>>
    %dma_wait3A_41 = arith.constant 0 : i32
    %dma_wait3A_42 = arith.constant 0 : i32
    %dma_wait3A_43 = tpu.memref_slice %arg2[%dma_wait3A_41, %dma_wait3A_42] : memref<1000000x128xf32, #tpu.memory_space<hbm>> -> memref<1000000x128xf32, #tpu.memory_space<hbm>>
    %dma_wait3A_44 = tpu.memref_slice %arg8[%dma_wait3A_33] : memref<2x!tpu.dma_semaphore, #tpu.memory_space<semaphore_mem>> -> memref<1x!tpu.dma_semaphore, #tpu.memory_space<semaphore_mem>>
    %dma_wait3A_45 = tpu.memref_squeeze %dma_wait3A_44 : memref<1x!tpu.dma_semaphore, #tpu.memory_space<semaphore_mem>> -> memref<!tpu.dma_semaphore, #tpu.memory_space<semaphore_mem>>
    tpu.wait_indirect_dma semaphore(%dma_wait3A_45 : memref<!tpu.dma_semaphore, #tpu.memory_space<semaphore_mem>>) src(%dma_wait3A_43 : memref<1000000x128xf32, #tpu.memory_space<hbm>>) dst(%dma_wait3A_37 : memref<100x128xf32, #tpu.memory_space<vmem>>)
    %scan3A = arith.constant 0 : i32
    %scan3A_46 = arith.constant 50 : i32
    %scan3A_47 = arith.addi %scan3A, %scan3A_46 : i32
    %scan3A_48 = arith.constant 1 : i32
    scf.for %scan3A_219 = %scan3A to %scan3A_47 step %scan3A_48  : i32 {
      %mul3A_220 = arith.constant 1 : i32
      %mul3A_221 = arith.muli %scan3A_219, %mul3A_220 : i32
      %add3A_222 = arith.constant 0 : i32
      %add3A_223 = arith.addi %add3A_222, %mul3A_221 : i32
      %add3A_224 = arith.constant 0 : i32
      %add3A_225 = arith.addi %add3A_224, %add3A_223 : i32
      %get3A = arith.constant 0 : i32
      %get3A_226 = arith.index_cast %get3A : i32 to index
      %get3A_227 = arith.index_cast %add3A_225 : i32 to index
      %get3A_228 = arith.constant 0 : index
      %get3A_229 = tpu.vector_load %arg6[%get3A_226, %get3A_227, %get3A_228] {strides = array<i32>} : memref<2x100x128xf32, #tpu.memory_space<vmem>>, vector<1x1x16xf32>,
      %get3A_230 = vector.shape_cast %get3A_229 : vector<1x1x16xf32> to vector<16xf32>
      %mul3A_231 = arith.constant 8.000000e+00 : f32
      %mul3A_232 = vector.broadcast %mul3A_231 : f32 to vector<16xf32>
      %mul3A_233 = arith.mulf %get3A_230, %mul3A_232 : vector<16xf32>
      %swap3A = arith.constant 0 : i32
      %swap3A_234 = arith.constant 0 : i32
      %swap3A_235 = arith.index_cast %swap3A : i32 to index
      %swap3A_236 = arith.index_cast %swap3A_234 : i32 to index
      %swap3A_237 = arith.index_cast %add3A_223 : i32 to index
      %swap3A_238 = arith.constant 0 : index
      %swap3A_239 = tpu.vector_load %arg7[%swap3A_235, %swap3A_236, %swap3A_237, %swap3A_238] {strides = array<i32>} : memref<2x2x50x64xf32, #tpu.memory_space<vmem>>, vector<1x1x1x16xf32>,
      %swap3A_240 = vector.shape_cast %swap3A_239 : vector<1x1x1x16xf32> to vector<16xf32>
      %swap3A_241 = vector.shape_cast %mul3A_233 : vector<16xf32> to vector<1x1x1x16xf32>
      tpu.vector_store %arg7[%swap3A_235, %swap3A_236, %swap3A_237, %swap3A_238], %swap3A_241 {strides = array<i32>} : memref<2x2x50x64xf32, #tpu.memory_space<vmem>>, vector<1x1x1x16xf32>,
      %add3A_242 = arith.constant 0 : i32
      %add3A_243 = arith.addi %add3A_242, %add3A_223 : i32
      %get3A_244 = arith.constant 0 : i32
      %get3A_245 = arith.index_cast %get3A_244 : i32 to index
      %get3A_246 = arith.index_cast %add3A_243 : i32 to index
      %get3A_247 = arith.constant 16 : index
      %get3A_248 = tpu.vector_load %arg6[%get3A_245, %get3A_246, %get3A_247] {strides = array<i32>} : memref<2x100x128xf32, #tpu.memory_space<vmem>>, vector<1x1x16xf32>,
      %get3A_249 = vector.shape_cast %get3A_248 : vector<1x1x16xf32> to vector<16xf32>
      %mul3A_250 = arith.constant 8.000000e+00 : f32
      %mul3A_251 = vector.broadcast %mul3A_250 : f32 to vector<16xf32>
      %mul3A_252 = arith.mulf %get3A_249, %mul3A_251 : vector<16xf32>
      %swap3A_253 = arith.constant 0 : i32
      %swap3A_254 = arith.constant 0 : i32
      %swap3A_255 = arith.index_cast %swap3A_253 : i32 to index
      %swap3A_256 = arith.index_cast %swap3A_254 : i32 to index
      %swap3A_257 = arith.index_cast %add3A_223 : i32 to index
      %swap3A_258 = arith.constant 16 : index
      %swap3A_259 = tpu.vector_load %arg7[%swap3A_255, %swap3A_256, %swap3A_257, %swap3A_258] {strides = array<i32>} : memref<2x2x50x64xf32, #tpu.memory_space<vmem>>, vector<1x1x1x16xf32>,
      %swap3A_260 = vector.shape_cast %swap3A_259 : vector<1x1x1x16xf32> to vector<16xf32>
      %swap3A_261 = vector.shape_cast %mul3A_252 : vector<16xf32> to vector<1x1x1x16xf32>
      tpu.vector_store %arg7[%swap3A_255, %swap3A_256, %swap3A_257, %swap3A_258], %swap3A_261 {strides = array<i32>} : memref<2x2x50x64xf32, #tpu.memory_space<vmem>>, vector<1x1x1x16xf32>,
      %add3A_262 = arith.constant 0 : i32
      %add3A_263 = arith.addi %add3A_262, %add3A_223 : i32
      %get3A_264 = arith.constant 0 : i32
      %get3A_265 = arith.index_cast %get3A_264 : i32 to index
      %get3A_266 = arith.index_cast %add3A_263 : i32 to index
      %get3A_267 = arith.constant 32 : index
      %get3A_268 = tpu.vector_load %arg6[%get3A_265, %get3A_266, %get3A_267] {strides = array<i32>} : memref<2x100x128xf32, #tpu.memory_space<vmem>>, vector<1x1x16xf32>,
      %get3A_269 = vector.shape_cast %get3A_268 : vector<1x1x16xf32> to vector<16xf32>
      %mul3A_270 = arith.constant 8.000000e+00 : f32
      %mul3A_271 = vector.broadcast %mul3A_270 : f32 to vector<16xf32>
      %mul3A_272 = arith.mulf %get3A_269, %mul3A_271 : vector<16xf32>
      %swap3A_273 = arith.constant 0 : i32
      %swap3A_274 = arith.constant 0 : i32
      %swap3A_275 = arith.index_cast %swap3A_273 : i32 to index
      %swap3A_276 = arith.index_cast %swap3A_274 : i32 to index
      %swap3A_277 = arith.index_cast %add3A_223 : i32 to index
      %swap3A_278 = arith.constant 32 : index
      %swap3A_279 = tpu.vector_load %arg7[%swap3A_275, %swap3A_276, %swap3A_277, %swap3A_278] {strides = array<i32>} : memref<2x2x50x64xf32, #tpu.memory_space<vmem>>, vector<1x1x1x16xf32>,
      %swap3A_280 = vector.shape_cast %swap3A_279 : vector<1x1x1x16xf32> to vector<16xf32>
      %swap3A_281 = vector.shape_cast %mul3A_272 : vector<16xf32> to vector<1x1x1x16xf32>
      tpu.vector_store %arg7[%swap3A_275, %swap3A_276, %swap3A_277, %swap3A_278], %swap3A_281 {strides = array<i32>} : memref<2x2x50x64xf32, #tpu.memory_space<vmem>>, vector<1x1x1x16xf32>,
      %add3A_282 = arith.constant 0 : i32
      %add3A_283 = arith.addi %add3A_282, %add3A_223 : i32
      %get3A_284 = arith.constant 0 : i32
      %get3A_285 = arith.index_cast %get3A_284 : i32 to index
      %get3A_286 = arith.index_cast %add3A_283 : i32 to index
      %get3A_287 = arith.constant 48 : index
      %get3A_288 = tpu.vector_load %arg6[%get3A_285, %get3A_286, %get3A_287] {strides = array<i32>} : memref<2x100x128xf32, #tpu.memory_space<vmem>>, vector<1x1x16xf32>,
      %get3A_289 = vector.shape_cast %get3A_288 : vector<1x1x16xf32> to vector<16xf32>
      %mul3A_290 = arith.constant 8.000000e+00 : f32
      %mul3A_291 = vector.broadcast %mul3A_290 : f32 to vector<16xf32>
      %mul3A_292 = arith.mulf %get3A_289, %mul3A_291 : vector<16xf32>
      %swap3A_293 = arith.constant 0 : i32
      %swap3A_294 = arith.constant 0 : i32
      %swap3A_295 = arith.index_cast %swap3A_293 : i32 to index
      %swap3A_296 = arith.index_cast %swap3A_294 : i32 to index
      %swap3A_297 = arith.index_cast %add3A_223 : i32 to index
      %swap3A_298 = arith.constant 48 : index
      %swap3A_299 = tpu.vector_load %arg7[%swap3A_295, %swap3A_296, %swap3A_297, %swap3A_298] {strides = array<i32>} : memref<2x2x50x64xf32, #tpu.memory_space<vmem>>, vector<1x1x1x16xf32>,
      %swap3A_300 = vector.shape_cast %swap3A_299 : vector<1x1x1x16xf32> to vector<16xf32>
      %swap3A_301 = vector.shape_cast %mul3A_292 : vector<16xf32> to vector<1x1x1x16xf32>
      tpu.vector_store %arg7[%swap3A_295, %swap3A_296, %swap3A_297, %swap3A_298], %swap3A_301 {strides = array<i32>} : memref<2x2x50x64xf32, #tpu.memory_space<vmem>>, vector<1x1x1x16xf32>,
    }
    %scan3A_49 = arith.constant 50 : i32
    %scan3A_50 = arith.constant 0 : i32
    %scan3A_51 = arith.constant 50 : i32
    %scan3A_52 = arith.addi %scan3A_50, %scan3A_51 : i32
    %scan3A_53 = arith.constant 1 : i32
    scf.for %scan3A_219 = %scan3A_50 to %scan3A_52 step %scan3A_53  : i32 {
      %mul3A_220 = arith.constant 1 : i32
      %mul3A_221 = arith.muli %scan3A_219, %mul3A_220 : i32
      %add3A_222 = arith.constant 0 : i32
      %add3A_223 = arith.addi %add3A_222, %mul3A_221 : i32
      %add3A_224 = arith.constant 50 : i32
      %add3A_225 = arith.addi %add3A_224, %add3A_223 : i32
      %get3A = arith.constant 0 : i32
      %get3A_226 = arith.index_cast %get3A : i32 to index
      %get3A_227 = arith.index_cast %add3A_225 : i32 to index
      %get3A_228 = arith.constant 0 : index
      %get3A_229 = tpu.vector_load %arg6[%get3A_226, %get3A_227, %get3A_228] {strides = array<i32>} : memref<2x100x128xf32, #tpu.memory_space<vmem>>, vector<1x1x16xf32>,
      %get3A_230 = vector.shape_cast %get3A_229 : vector<1x1x16xf32> to vector<16xf32>
      %mul3A_231 = arith.constant 8.000000e+00 : f32
      %mul3A_232 = vector.broadcast %mul3A_231 : f32 to vector<16xf32>
      %mul3A_233 = arith.mulf %get3A_230, %mul3A_232 : vector<16xf32>
      %swap3A = arith.constant 0 : i32
      %swap3A_234 = arith.constant 1 : i32
      %swap3A_235 = arith.index_cast %swap3A : i32 to index
      %swap3A_236 = arith.index_cast %swap3A_234 : i32 to index
      %swap3A_237 = arith.index_cast %add3A_223 : i32 to index
      %swap3A_238 = arith.constant 0 : index
      %swap3A_239 = tpu.vector_load %arg7[%swap3A_235, %swap3A_236, %swap3A_237, %swap3A_238] {strides = array<i32>} : memref<2x2x50x64xf32, #tpu.memory_space<vmem>>, vector<1x1x1x16xf32>,
      %swap3A_240 = vector.shape_cast %swap3A_239 : vector<1x1x1x16xf32> to vector<16xf32>
      %swap3A_241 = vector.shape_cast %mul3A_233 : vector<16xf32> to vector<1x1x1x16xf32>
      tpu.vector_store %arg7[%swap3A_235, %swap3A_236, %swap3A_237, %swap3A_238], %swap3A_241 {strides = array<i32>} : memref<2x2x50x64xf32, #tpu.memory_space<vmem>>, vector<1x1x1x16xf32>,
      %add3A_242 = arith.constant 50 : i32
      %add3A_243 = arith.addi %add3A_242, %add3A_223 : i32
      %get3A_244 = arith.constant 0 : i32
      %get3A_245 = arith.index_cast %get3A_244 : i32 to index
      %get3A_246 = arith.index_cast %add3A_243 : i32 to index
      %get3A_247 = arith.constant 16 : index
      %get3A_248 = tpu.vector_load %arg6[%get3A_245, %get3A_246, %get3A_247] {strides = array<i32>} : memref<2x100x128xf32, #tpu.memory_space<vmem>>, vector<1x1x16xf32>,
      %get3A_249 = vector.shape_cast %get3A_248 : vector<1x1x16xf32> to vector<16xf32>
      %mul3A_250 = arith.constant 8.000000e+00 : f32
      %mul3A_251 = vector.broadcast %mul3A_250 : f32 to vector<16xf32>
      %mul3A_252 = arith.mulf %get3A_249, %mul3A_251 : vector<16xf32>
      %swap3A_253 = arith.constant 0 : i32
      %swap3A_254 = arith.constant 1 : i32
      %swap3A_255 = arith.index_cast %swap3A_253 : i32 to index
      %swap3A_256 = arith.index_cast %swap3A_254 : i32 to index
      %swap3A_257 = arith.index_cast %add3A_223 : i32 to index
      %swap3A_258 = arith.constant 16 : index
      %swap3A_259 = tpu.vector_load %arg7[%swap3A_255, %swap3A_256, %swap3A_257, %swap3A_258] {strides = array<i32>} : memref<2x2x50x64xf32, #tpu.memory_space<vmem>>, vector<1x1x1x16xf32>,
      %swap3A_260 = vector.shape_cast %swap3A_259 : vector<1x1x1x16xf32> to vector<16xf32>
      %swap3A_261 = vector.shape_cast %mul3A_252 : vector<16xf32> to vector<1x1x1x16xf32>
      tpu.vector_store %arg7[%swap3A_255, %swap3A_256, %swap3A_257, %swap3A_258], %swap3A_261 {strides = array<i32>} : memref<2x2x50x64xf32, #tpu.memory_space<vmem>>, vector<1x1x1x16xf32>,
      %add3A_262 = arith.constant 50 : i32
      %add3A_263 = arith.addi %add3A_262, %add3A_223 : i32
      %get3A_264 = arith.constant 0 : i32
      %get3A_265 = arith.index_cast %get3A_264 : i32 to index
      %get3A_266 = arith.index_cast %add3A_263 : i32 to index
      %get3A_267 = arith.constant 32 : index
      %get3A_268 = tpu.vector_load %arg6[%get3A_265, %get3A_266, %get3A_267] {strides = array<i32>} : memref<2x100x128xf32, #tpu.memory_space<vmem>>, vector<1x1x16xf32>,
      %get3A_269 = vector.shape_cast %get3A_268 : vector<1x1x16xf32> to vector<16xf32>
      %mul3A_270 = arith.constant 8.000000e+00 : f32
      %mul3A_271 = vector.broadcast %mul3A_270 : f32 to vector<16xf32>
      %mul3A_272 = arith.mulf %get3A_269, %mul3A_271 : vector<16xf32>
      %swap3A_273 = arith.constant 0 : i32
      %swap3A_274 = arith.constant 1 : i32
      %swap3A_275 = arith.index_cast %swap3A_273 : i32 to index
      %swap3A_276 = arith.index_cast %swap3A_274 : i32 to index
      %swap3A_277 = arith.index_cast %add3A_223 : i32 to index
      %swap3A_278 = arith.constant 32 : index
      %swap3A_279 = tpu.vector_load %arg7[%swap3A_275, %swap3A_276, %swap3A_277, %swap3A_278] {strides = array<i32>} : memref<2x2x50x64xf32, #tpu.memory_space<vmem>>, vector<1x1x1x16xf32>,
      %swap3A_280 = vector.shape_cast %swap3A_279 : vector<1x1x1x16xf32> to vector<16xf32>
      %swap3A_281 = vector.shape_cast %mul3A_272 : vector<16xf32> to vector<1x1x1x16xf32>
      tpu.vector_store %arg7[%swap3A_275, %swap3A_276, %swap3A_277, %swap3A_278], %swap3A_281 {strides = array<i32>} : memref<2x2x50x64xf32, #tpu.memory_space<vmem>>, vector<1x1x1x16xf32>,
      %add3A_282 = arith.constant 50 : i32
      %add3A_283 = arith.addi %add3A_282, %add3A_223 : i32
      %get3A_284 = arith.constant 0 : i32
      %get3A_285 = arith.index_cast %get3A_284 : i32 to index
      %get3A_286 = arith.index_cast %add3A_283 : i32 to index
      %get3A_287 = arith.constant 48 : index
      %get3A_288 = tpu.vector_load %arg6[%get3A_285, %get3A_286, %get3A_287] {strides = array<i32>} : memref<2x100x128xf32, #tpu.memory_space<vmem>>, vector<1x1x16xf32>,
      %get3A_289 = vector.shape_cast %get3A_288 : vector<1x1x16xf32> to vector<16xf32>
      %mul3A_290 = arith.constant 8.000000e+00 : f32
      %mul3A_291 = vector.broadcast %mul3A_290 : f32 to vector<16xf32>
      %mul3A_292 = arith.mulf %get3A_289, %mul3A_291 : vector<16xf32>
      %swap3A_293 = arith.constant 0 : i32
      %swap3A_294 = arith.constant 1 : i32
      %swap3A_295 = arith.index_cast %swap3A_293 : i32 to index
      %swap3A_296 = arith.index_cast %swap3A_294 : i32 to index
      %swap3A_297 = arith.index_cast %add3A_223 : i32 to index
      %swap3A_298 = arith.constant 48 : index
      %swap3A_299 = tpu.vector_load %arg7[%swap3A_295, %swap3A_296, %swap3A_297, %swap3A_298] {strides = array<i32>} : memref<2x2x50x64xf32, #tpu.memory_space<vmem>>, vector<1x1x1x16xf32>,
      %swap3A_300 = vector.shape_cast %swap3A_299 : vector<1x1x1x16xf32> to vector<16xf32>
      %swap3A_301 = vector.shape_cast %mul3A_292 : vector<16xf32> to vector<1x1x1x16xf32>
      tpu.vector_store %arg7[%swap3A_295, %swap3A_296, %swap3A_297, %swap3A_298], %swap3A_301 {strides = array<i32>} : memref<2x2x50x64xf32, #tpu.memory_space<vmem>>, vector<1x1x1x16xf32>,
    }
    %scan3A_54 = arith.constant 50 : i32
    %mul3A_55 = arith.constant 256 : i32
    %mul3A_56 = arith.muli %add3A, %mul3A_55 : i32
    %add3A_57 = arith.constant 0 : i32
    %add3A_58 = arith.addi %mul3A_56, %add3A_57 : i32
    %mul3A_59 = arith.constant 2 : i32
    %mul3A_60 = arith.muli %add3A_58, %mul3A_59 : i32
    %dma_start3A_61 = arith.constant 0 : i32
    %dma_start3A_62 = arith.constant 0 : i32
    %dma_start3A_63 = arith.constant 0 : i32
    %dma_start3A_64 = arith.constant 0 : i32
    %dma_start3A_65 = arith.constant 0 : i32
    %dma_start3A_66 = tpu.memref_slice %arg7[%dma_start3A_61, %dma_start3A_63, %dma_start3A_64, %dma_start3A_65] : memref<2x2x50x64xf32, #tpu.memory_space<vmem>> -> memref<1x2x50x64xf32, #tpu.memory_space<vmem>>
    %dma_start3A_67 = tpu.memref_squeeze %dma_start3A_66 : memref<1x2x50x64xf32, #tpu.memory_space<vmem>> -> memref<2x50x64xf32, #tpu.memory_space<vmem>>
    %dma_start3A_68 = arith.constant 0 : i32
    %dma_start3A_69 = arith.constant 0 : i32
    %dma_start3A_70 = tpu.memref_slice %arg4[%mul3A_60, %dma_start3A_68, %dma_start3A_69] : memref<16384x50x64xf32, #tpu.memory_space<hbm>> -> memref<2x50x64xf32, #tpu.memory_space<hbm>>
    %dma_start3A_71 = tpu.memref_slice %arg9[%dma_start3A_62] : memref<2x!tpu.dma_semaphore, #tpu.memory_space<semaphore_mem>> -> memref<1x!tpu.dma_semaphore, #tpu.memory_space<semaphore_mem>>
    %dma_start3A_72 = tpu.memref_squeeze %dma_start3A_71 : memref<1x!tpu.dma_semaphore, #tpu.memory_space<semaphore_mem>> -> memref<!tpu.dma_semaphore, #tpu.memory_space<semaphore_mem>>
    %dma_start3A_73 = arith.constant 0 : i32
    %dma_start3A_74 = arith.constant 0 : i32
    %dma_start3A_75 = tpu.memref_slice %arg4[%mul3A_60, %dma_start3A_73, %dma_start3A_74] : memref<16384x50x64xf32, #tpu.memory_space<hbm>> -> memref<2x50x64xf32, #tpu.memory_space<hbm>>
    %dma_start3A_76 = arith.constant 0 : i32
    %dma_start3A_77 = arith.constant 0 : i32
    %dma_start3A_78 = arith.constant 0 : i32
    %dma_start3A_79 = tpu.memref_slice %arg7[%dma_start3A_61, %dma_start3A_76, %dma_start3A_77, %dma_start3A_78] : memref<2x2x50x64xf32, #tpu.memory_space<vmem>> -> memref<1x2x50x64xf32, #tpu.memory_space<vmem>>
    %dma_start3A_80 = tpu.memref_squeeze %dma_start3A_79 : memref<1x2x50x64xf32, #tpu.memory_space<vmem>> -> memref<2x50x64xf32, #tpu.memory_space<vmem>>
    tpu.enqueue_dma source(%dma_start3A_80 : memref<2x50x64xf32, #tpu.memory_space<vmem>>) target(%dma_start3A_75 : memref<2x50x64xf32, #tpu.memory_space<hbm>>) target_semaphore(%dma_start3A_72 : memref<!tpu.dma_semaphore, #tpu.memory_space<semaphore_mem>>)
    %dma_start3A_81 = arith.constant 2 : i32
    %dma_start3A_82 = arith.constant 0 : i32
    %dma_start3A_83 = arith.constant 0 : i32
    %dma_start3A_84 = arith.constant 0 : i32
    %dma_start3A_85 = arith.constant 0 : i32
    %dma_start3A_86 = tpu.memref_slice %arg6[%dma_start3A_82, %dma_start3A_84, %dma_start3A_85] : memref<2x100x128xf32, #tpu.memory_space<vmem>> -> memref<1x100x128xf32, #tpu.memory_space<vmem>>
    %dma_start3A_87 = tpu.memref_squeeze %dma_start3A_86 : memref<1x100x128xf32, #tpu.memory_space<vmem>> -> memref<100x128xf32, #tpu.memory_space<vmem>>
    %dma_start3A_88 = arith.constant 0 : i32
    %dma_start3A_89 = tpu.memref_slice %arg5[%dma_start3A_81, %dma_start3A_88] : memref<256x100xi32, #tpu.memory_space<vmem>> -> memref<1x100xi32, #tpu.memory_space<vmem>>
    %dma_start3A_90 = tpu.memref_squeeze %dma_start3A_89 : memref<1x100xi32, #tpu.memory_space<vmem>> -> memref<100xi32, #tpu.memory_space<vmem>>
    %dma_start3A_91 = arith.constant 0 : i32
    %dma_start3A_92 = arith.constant 0 : i32
    %dma_start3A_93 = tpu.memref_slice %arg2[%dma_start3A_91, %dma_start3A_92] : memref<1000000x128xf32, #tpu.memory_space<hbm>> -> memref<1000000x128xf32, #tpu.memory_space<hbm>>
    %dma_start3A_94 = tpu.memref_slice %arg8[%dma_start3A_83] : memref<2x!tpu.dma_semaphore, #tpu.memory_space<semaphore_mem>> -> memref<1x!tpu.dma_semaphore, #tpu.memory_space<semaphore_mem>>
    %dma_start3A_95 = tpu.memref_squeeze %dma_start3A_94 : memref<1x!tpu.dma_semaphore, #tpu.memory_space<semaphore_mem>> -> memref<!tpu.dma_semaphore, #tpu.memory_space<semaphore_mem>>
    tpu.enqueue_indirect_dma source(%dma_start3A_93 : memref<1000000x128xf32, #tpu.memory_space<hbm>>) target(%dma_start3A_87 : memref<100x128xf32, #tpu.memory_space<vmem>>) offsets(%dma_start3A_90 : memref<100xi32, #tpu.memory_space<vmem>>) semaphore(%dma_start3A_95 : memref<!tpu.dma_semaphore, #tpu.memory_space<semaphore_mem>>)
    %dma_wait3A_96 = arith.constant 1 : i32
    %dma_wait3A_97 = arith.constant 1 : i32
    %dma_wait3A_98 = arith.constant 1 : i32
    %dma_wait3A_99 = arith.constant 0 : i32
    %dma_wait3A_100 = arith.constant 0 : i32
    %dma_wait3A_101 = tpu.memref_slice %arg6[%dma_wait3A_97, %dma_wait3A_99, %dma_wait3A_100] : memref<2x100x128xf32, #tpu.memory_space<vmem>> -> memref<1x100x128xf32, #tpu.memory_space<vmem>>
    %dma_wait3A_102 = tpu.memref_squeeze %dma_wait3A_101 : memref<1x100x128xf32, #tpu.memory_space<vmem>> -> memref<100x128xf32, #tpu.memory_space<vmem>>
    %dma_wait3A_103 = arith.constant 0 : i32
    %dma_wait3A_104 = tpu.memref_slice %arg5[%dma_wait3A_96, %dma_wait3A_103] : memref<256x100xi32, #tpu.memory_space<vmem>> -> memref<1x100xi32, #tpu.memory_space<vmem>>
    %dma_wait3A_105 = tpu.memref_squeeze %dma_wait3A_104 : memref<1x100xi32, #tpu.memory_space<vmem>> -> memref<100xi32, #tpu.memory_space<vmem>>
    %dma_wait3A_106 = arith.constant 0 : i32
    %dma_wait3A_107 = arith.constant 0 : i32
    %dma_wait3A_108 = tpu.memref_slice %arg2[%dma_wait3A_106, %dma_wait3A_107] : memref<1000000x128xf32, #tpu.memory_space<hbm>> -> memref<1000000x128xf32, #tpu.memory_space<hbm>>
    %dma_wait3A_109 = tpu.memref_slice %arg8[%dma_wait3A_98] : memref<2x!tpu.dma_semaphore, #tpu.memory_space<semaphore_mem>> -> memref<1x!tpu.dma_semaphore, #tpu.memory_space<semaphore_mem>>
    %dma_wait3A_110 = tpu.memref_squeeze %dma_wait3A_109 : memref<1x!tpu.dma_semaphore, #tpu.memory_space<semaphore_mem>> -> memref<!tpu.dma_semaphore, #tpu.memory_space<semaphore_mem>>
    tpu.wait_indirect_dma semaphore(%dma_wait3A_110 : memref<!tpu.dma_semaphore, #tpu.memory_space<semaphore_mem>>) src(%dma_wait3A_108 : memref<1000000x128xf32, #tpu.memory_space<hbm>>) dst(%dma_wait3A_102 : memref<100x128xf32, #tpu.memory_space<vmem>>)
    %scan3A_111 = arith.constant 0 : i32
    %scan3A_112 = arith.constant 50 : i32
    %scan3A_113 = arith.addi %scan3A_111, %scan3A_112 : i32
    %scan3A_114 = arith.constant 1 : i32
    scf.for %scan3A_219 = %scan3A_111 to %scan3A_113 step %scan3A_114  : i32 {
      %mul3A_220 = arith.constant 1 : i32
      %mul3A_221 = arith.muli %scan3A_219, %mul3A_220 : i32
      %add3A_222 = arith.constant 0 : i32
      %add3A_223 = arith.addi %add3A_222, %mul3A_221 : i32
      %add3A_224 = arith.constant 0 : i32
      %add3A_225 = arith.addi %add3A_224, %add3A_223 : i32
      %get3A = arith.constant 1 : i32
      %get3A_226 = arith.index_cast %get3A : i32 to index
      %get3A_227 = arith.index_cast %add3A_225 : i32 to index
      %get3A_228 = arith.constant 0 : index
      %get3A_229 = tpu.vector_load %arg6[%get3A_226, %get3A_227, %get3A_228] {strides = array<i32>} : memref<2x100x128xf32, #tpu.memory_space<vmem>>, vector<1x1x16xf32>,
      %get3A_230 = vector.shape_cast %get3A_229 : vector<1x1x16xf32> to vector<16xf32>
      %mul3A_231 = arith.constant 8.000000e+00 : f32
      %mul3A_232 = vector.broadcast %mul3A_231 : f32 to vector<16xf32>
      %mul3A_233 = arith.mulf %get3A_230, %mul3A_232 : vector<16xf32>
      %swap3A = arith.constant 1 : i32
      %swap3A_234 = arith.constant 0 : i32
      %swap3A_235 = arith.index_cast %swap3A : i32 to index
      %swap3A_236 = arith.index_cast %swap3A_234 : i32 to index
      %swap3A_237 = arith.index_cast %add3A_223 : i32 to index
      %swap3A_238 = arith.constant 0 : index
      %swap3A_239 = tpu.vector_load %arg7[%swap3A_235, %swap3A_236, %swap3A_237, %swap3A_238] {strides = array<i32>} : memref<2x2x50x64xf32, #tpu.memory_space<vmem>>, vector<1x1x1x16xf32>,
      %swap3A_240 = vector.shape_cast %swap3A_239 : vector<1x1x1x16xf32> to vector<16xf32>
      %swap3A_241 = vector.shape_cast %mul3A_233 : vector<16xf32> to vector<1x1x1x16xf32>
      tpu.vector_store %arg7[%swap3A_235, %swap3A_236, %swap3A_237, %swap3A_238], %swap3A_241 {strides = array<i32>} : memref<2x2x50x64xf32, #tpu.memory_space<vmem>>, vector<1x1x1x16xf32>,
      %add3A_242 = arith.constant 0 : i32
      %add3A_243 = arith.addi %add3A_242, %add3A_223 : i32
      %get3A_244 = arith.constant 1 : i32
      %get3A_245 = arith.index_cast %get3A_244 : i32 to index
      %get3A_246 = arith.index_cast %add3A_243 : i32 to index
      %get3A_247 = arith.constant 16 : index
      %get3A_248 = tpu.vector_load %arg6[%get3A_245, %get3A_246, %get3A_247] {strides = array<i32>} : memref<2x100x128xf32, #tpu.memory_space<vmem>>, vector<1x1x16xf32>,
      %get3A_249 = vector.shape_cast %get3A_248 : vector<1x1x16xf32> to vector<16xf32>
      %mul3A_250 = arith.constant 8.000000e+00 : f32
      %mul3A_251 = vector.broadcast %mul3A_250 : f32 to vector<16xf32>
      %mul3A_252 = arith.mulf %get3A_249, %mul3A_251 : vector<16xf32>
      %swap3A_253 = arith.constant 1 : i32
      %swap3A_254 = arith.constant 0 : i32
      %swap3A_255 = arith.index_cast %swap3A_253 : i32 to index
      %swap3A_256 = arith.index_cast %swap3A_254 : i32 to index
      %swap3A_257 = arith.index_cast %add3A_223 : i32 to index
      %swap3A_258 = arith.constant 16 : index
      %swap3A_259 = tpu.vector_load %arg7[%swap3A_255, %swap3A_256, %swap3A_257, %swap3A_258] {strides = array<i32>} : memref<2x2x50x64xf32, #tpu.memory_space<vmem>>, vector<1x1x1x16xf32>,
      %swap3A_260 = vector.shape_cast %swap3A_259 : vector<1x1x1x16xf32> to vector<16xf32>
      %swap3A_261 = vector.shape_cast %mul3A_252 : vector<16xf32> to vector<1x1x1x16xf32>
      tpu.vector_store %arg7[%swap3A_255, %swap3A_256, %swap3A_257, %swap3A_258], %swap3A_261 {strides = array<i32>} : memref<2x2x50x64xf32, #tpu.memory_space<vmem>>, vector<1x1x1x16xf32>,
      %add3A_262 = arith.constant 0 : i32
      %add3A_263 = arith.addi %add3A_262, %add3A_223 : i32
      %get3A_264 = arith.constant 1 : i32
      %get3A_265 = arith.index_cast %get3A_264 : i32 to index
      %get3A_266 = arith.index_cast %add3A_263 : i32 to index
      %get3A_267 = arith.constant 32 : index
      %get3A_268 = tpu.vector_load %arg6[%get3A_265, %get3A_266, %get3A_267] {strides = array<i32>} : memref<2x100x128xf32, #tpu.memory_space<vmem>>, vector<1x1x16xf32>,
      %get3A_269 = vector.shape_cast %get3A_268 : vector<1x1x16xf32> to vector<16xf32>
      %mul3A_270 = arith.constant 8.000000e+00 : f32
      %mul3A_271 = vector.broadcast %mul3A_270 : f32 to vector<16xf32>
      %mul3A_272 = arith.mulf %get3A_269, %mul3A_271 : vector<16xf32>
      %swap3A_273 = arith.constant 1 : i32
      %swap3A_274 = arith.constant 0 : i32
      %swap3A_275 = arith.index_cast %swap3A_273 : i32 to index
      %swap3A_276 = arith.index_cast %swap3A_274 : i32 to index
      %swap3A_277 = arith.index_cast %add3A_223 : i32 to index
      %swap3A_278 = arith.constant 32 : index
      %swap3A_279 = tpu.vector_load %arg7[%swap3A_275, %swap3A_276, %swap3A_277, %swap3A_278] {strides = array<i32>} : memref<2x2x50x64xf32, #tpu.memory_space<vmem>>, vector<1x1x1x16xf32>,
      %swap3A_280 = vector.shape_cast %swap3A_279 : vector<1x1x1x16xf32> to vector<16xf32>
      %swap3A_281 = vector.shape_cast %mul3A_272 : vector<16xf32> to vector<1x1x1x16xf32>
      tpu.vector_store %arg7[%swap3A_275, %swap3A_276, %swap3A_277, %swap3A_278], %swap3A_281 {strides = array<i32>} : memref<2x2x50x64xf32, #tpu.memory_space<vmem>>, vector<1x1x1x16xf32>,
      %add3A_282 = arith.constant 0 : i32
      %add3A_283 = arith.addi %add3A_282, %add3A_223 : i32
      %get3A_284 = arith.constant 1 : i32
      %get3A_285 = arith.index_cast %get3A_284 : i32 to index
      %get3A_286 = arith.index_cast %add3A_283 : i32 to index
      %get3A_287 = arith.constant 48 : index
      %get3A_288 = tpu.vector_load %arg6[%get3A_285, %get3A_286, %get3A_287] {strides = array<i32>} : memref<2x100x128xf32, #tpu.memory_space<vmem>>, vector<1x1x16xf32>,
      %get3A_289 = vector.shape_cast %get3A_288 : vector<1x1x16xf32> to vector<16xf32>
      %mul3A_290 = arith.constant 8.000000e+00 : f32
      %mul3A_291 = vector.broadcast %mul3A_290 : f32 to vector<16xf32>
      %mul3A_292 = arith.mulf %get3A_289, %mul3A_291 : vector<16xf32>
      %swap3A_293 = arith.constant 1 : i32
      %swap3A_294 = arith.constant 0 : i32
      %swap3A_295 = arith.index_cast %swap3A_293 : i32 to index
      %swap3A_296 = arith.index_cast %swap3A_294 : i32 to index
      %swap3A_297 = arith.index_cast %add3A_223 : i32 to index
      %swap3A_298 = arith.constant 48 : index
      %swap3A_299 = tpu.vector_load %arg7[%swap3A_295, %swap3A_296, %swap3A_297, %swap3A_298] {strides = array<i32>} : memref<2x2x50x64xf32, #tpu.memory_space<vmem>>, vector<1x1x1x16xf32>,
      %swap3A_300 = vector.shape_cast %swap3A_299 : vector<1x1x1x16xf32> to vector<16xf32>
      %swap3A_301 = vector.shape_cast %mul3A_292 : vector<16xf32> to vector<1x1x1x16xf32>
      tpu.vector_store %arg7[%swap3A_295, %swap3A_296, %swap3A_297, %swap3A_298], %swap3A_301 {strides = array<i32>} : memref<2x2x50x64xf32, #tpu.memory_space<vmem>>, vector<1x1x1x16xf32>,
    }
    %scan3A_115 = arith.constant 50 : i32
    %scan3A_116 = arith.constant 0 : i32
    %scan3A_117 = arith.constant 50 : i32
    %scan3A_118 = arith.addi %scan3A_116, %scan3A_117 : i32
    %scan3A_119 = arith.constant 1 : i32
    scf.for %scan3A_219 = %scan3A_116 to %scan3A_118 step %scan3A_119  : i32 {
      %mul3A_220 = arith.constant 1 : i32
      %mul3A_221 = arith.muli %scan3A_219, %mul3A_220 : i32
      %add3A_222 = arith.constant 0 : i32
      %add3A_223 = arith.addi %add3A_222, %mul3A_221 : i32
      %add3A_224 = arith.constant 50 : i32
      %add3A_225 = arith.addi %add3A_224, %add3A_223 : i32
      %get3A = arith.constant 1 : i32
      %get3A_226 = arith.index_cast %get3A : i32 to index
      %get3A_227 = arith.index_cast %add3A_225 : i32 to index
      %get3A_228 = arith.constant 0 : index
      %get3A_229 = tpu.vector_load %arg6[%get3A_226, %get3A_227, %get3A_228] {strides = array<i32>} : memref<2x100x128xf32, #tpu.memory_space<vmem>>, vector<1x1x16xf32>,
      %get3A_230 = vector.shape_cast %get3A_229 : vector<1x1x16xf32> to vector<16xf32>
      %mul3A_231 = arith.constant 8.000000e+00 : f32
      %mul3A_232 = vector.broadcast %mul3A_231 : f32 to vector<16xf32>
      %mul3A_233 = arith.mulf %get3A_230, %mul3A_232 : vector<16xf32>
      %swap3A = arith.constant 1 : i32
      %swap3A_234 = arith.constant 1 : i32
      %swap3A_235 = arith.index_cast %swap3A : i32 to index
      %swap3A_236 = arith.index_cast %swap3A_234 : i32 to index
      %swap3A_237 = arith.index_cast %add3A_223 : i32 to index
      %swap3A_238 = arith.constant 0 : index
      %swap3A_239 = tpu.vector_load %arg7[%swap3A_235, %swap3A_236, %swap3A_237, %swap3A_238] {strides = array<i32>} : memref<2x2x50x64xf32, #tpu.memory_space<vmem>>, vector<1x1x1x16xf32>,
      %swap3A_240 = vector.shape_cast %swap3A_239 : vector<1x1x1x16xf32> to vector<16xf32>
      %swap3A_241 = vector.shape_cast %mul3A_233 : vector<16xf32> to vector<1x1x1x16xf32>
      tpu.vector_store %arg7[%swap3A_235, %swap3A_236, %swap3A_237, %swap3A_238], %swap3A_241 {strides = array<i32>} : memref<2x2x50x64xf32, #tpu.memory_space<vmem>>, vector<1x1x1x16xf32>,
      %add3A_242 = arith.constant 50 : i32
      %add3A_243 = arith.addi %add3A_242, %add3A_223 : i32
      %get3A_244 = arith.constant 1 : i32
      %get3A_245 = arith.index_cast %get3A_244 : i32 to index
      %get3A_246 = arith.index_cast %add3A_243 : i32 to index
      %get3A_247 = arith.constant 16 : index
      %get3A_248 = tpu.vector_load %arg6[%get3A_245, %get3A_246, %get3A_247] {strides = array<i32>} : memref<2x100x128xf32, #tpu.memory_space<vmem>>, vector<1x1x16xf32>,
      %get3A_249 = vector.shape_cast %get3A_248 : vector<1x1x16xf32> to vector<16xf32>
      %mul3A_250 = arith.constant 8.000000e+00 : f32
      %mul3A_251 = vector.broadcast %mul3A_250 : f32 to vector<16xf32>
      %mul3A_252 = arith.mulf %get3A_249, %mul3A_251 : vector<16xf32>
      %swap3A_253 = arith.constant 1 : i32
      %swap3A_254 = arith.constant 1 : i32
      %swap3A_255 = arith.index_cast %swap3A_253 : i32 to index
      %swap3A_256 = arith.index_cast %swap3A_254 : i32 to index
      %swap3A_257 = arith.index_cast %add3A_223 : i32 to index
      %swap3A_258 = arith.constant 16 : index
      %swap3A_259 = tpu.vector_load %arg7[%swap3A_255, %swap3A_256, %swap3A_257, %swap3A_258] {strides = array<i32>} : memref<2x2x50x64xf32, #tpu.memory_space<vmem>>, vector<1x1x1x16xf32>,
      %swap3A_260 = vector.shape_cast %swap3A_259 : vector<1x1x1x16xf32> to vector<16xf32>
      %swap3A_261 = vector.shape_cast %mul3A_252 : vector<16xf32> to vector<1x1x1x16xf32>
      tpu.vector_store %arg7[%swap3A_255, %swap3A_256, %swap3A_257, %swap3A_258], %swap3A_261 {strides = array<i32>} : memref<2x2x50x64xf32, #tpu.memory_space<vmem>>, vector<1x1x1x16xf32>,
      %add3A_262 = arith.constant 50 : i32
      %add3A_263 = arith.addi %add3A_262, %add3A_223 : i32
      %get3A_264 = arith.constant 1 : i32
      %get3A_265 = arith.index_cast %get3A_264 : i32 to index
      %get3A_266 = arith.index_cast %add3A_263 : i32 to index
      %get3A_267 = arith.constant 32 : index
      %get3A_268 = tpu.vector_load %arg6[%get3A_265, %get3A_266, %get3A_267] {strides = array<i32>} : memref<2x100x128xf32, #tpu.memory_space<vmem>>, vector<1x1x16xf32>,
      %get3A_269 = vector.shape_cast %get3A_268 : vector<1x1x16xf32> to vector<16xf32>
      %mul3A_270 = arith.constant 8.000000e+00 : f32
      %mul3A_271 = vector.broadcast %mul3A_270 : f32 to vector<16xf32>
      %mul3A_272 = arith.mulf %get3A_269, %mul3A_271 : vector<16xf32>
      %swap3A_273 = arith.constant 1 : i32
      %swap3A_274 = arith.constant 1 : i32
      %swap3A_275 = arith.index_cast %swap3A_273 : i32 to index
      %swap3A_276 = arith.index_cast %swap3A_274 : i32 to index
      %swap3A_277 = arith.index_cast %add3A_223 : i32 to index
      %swap3A_278 = arith.constant 32 : index
      %swap3A_279 = tpu.vector_load %arg7[%swap3A_275, %swap3A_276, %swap3A_277, %swap3A_278] {strides = array<i32>} : memref<2x2x50x64xf32, #tpu.memory_space<vmem>>, vector<1x1x1x16xf32>,
      %swap3A_280 = vector.shape_cast %swap3A_279 : vector<1x1x1x16xf32> to vector<16xf32>
      %swap3A_281 = vector.shape_cast %mul3A_272 : vector<16xf32> to vector<1x1x1x16xf32>
      tpu.vector_store %arg7[%swap3A_275, %swap3A_276, %swap3A_277, %swap3A_278], %swap3A_281 {strides = array<i32>} : memref<2x2x50x64xf32, #tpu.memory_space<vmem>>, vector<1x1x1x16xf32>,
      %add3A_282 = arith.constant 50 : i32
      %add3A_283 = arith.addi %add3A_282, %add3A_223 : i32
      %get3A_284 = arith.constant 1 : i32
      %get3A_285 = arith.index_cast %get3A_284 : i32 to index
      %get3A_286 = arith.index_cast %add3A_283 : i32 to index
      %get3A_287 = arith.constant 48 : index
      %get3A_288 = tpu.vector_load %arg6[%get3A_285, %get3A_286, %get3A_287] {strides = array<i32>} : memref<2x100x128xf32, #tpu.memory_space<vmem>>, vector<1x1x16xf32>,
      %get3A_289 = vector.shape_cast %get3A_288 : vector<1x1x16xf32> to vector<16xf32>
      %mul3A_290 = arith.constant 8.000000e+00 : f32
      %mul3A_291 = vector.broadcast %mul3A_290 : f32 to vector<16xf32>
      %mul3A_292 = arith.mulf %get3A_289, %mul3A_291 : vector<16xf32>
      %swap3A_293 = arith.constant 1 : i32
      %swap3A_294 = arith.constant 1 : i32
      %swap3A_295 = arith.index_cast %swap3A_293 : i32 to index
      %swap3A_296 = arith.index_cast %swap3A_294 : i32 to index
      %swap3A_297 = arith.index_cast %add3A_223 : i32 to index
      %swap3A_298 = arith.constant 48 : index
      %swap3A_299 = tpu.vector_load %arg7[%swap3A_295, %swap3A_296, %swap3A_297, %swap3A_298] {strides = array<i32>} : memref<2x2x50x64xf32, #tpu.memory_space<vmem>>, vector<1x1x1x16xf32>,
      %swap3A_300 = vector.shape_cast %swap3A_299 : vector<1x1x1x16xf32> to vector<16xf32>
      %swap3A_301 = vector.shape_cast %mul3A_292 : vector<16xf32> to vector<1x1x1x16xf32>
      tpu.vector_store %arg7[%swap3A_295, %swap3A_296, %swap3A_297, %swap3A_298], %swap3A_301 {strides = array<i32>} : memref<2x2x50x64xf32, #tpu.memory_space<vmem>>, vector<1x1x1x16xf32>,
    }
    %scan3A_120 = arith.constant 50 : i32
    %mul3A_121 = arith.constant 256 : i32
    %mul3A_122 = arith.muli %add3A, %mul3A_121 : i32
    %add3A_123 = arith.constant 1 : i32
    %add3A_124 = arith.addi %mul3A_122, %add3A_123 : i32
    %mul3A_125 = arith.constant 2 : i32
    %mul3A_126 = arith.muli %add3A_124, %mul3A_125 : i32
    %dma_start3A_127 = arith.constant 1 : i32
    %dma_start3A_128 = arith.constant 1 : i32
    %dma_start3A_129 = arith.constant 0 : i32
    %dma_start3A_130 = arith.constant 0 : i32
    %dma_start3A_131 = arith.constant 0 : i32
    %dma_start3A_132 = tpu.memref_slice %arg7[%dma_start3A_127, %dma_start3A_129, %dma_start3A_130, %dma_start3A_131] : memref<2x2x50x64xf32, #tpu.memory_space<vmem>> -> memref<1x2x50x64xf32, #tpu.memory_space<vmem>>
    %dma_start3A_133 = tpu.memref_squeeze %dma_start3A_132 : memref<1x2x50x64xf32, #tpu.memory_space<vmem>> -> memref<2x50x64xf32, #tpu.memory_space<vmem>>
    %dma_start3A_134 = arith.constant 0 : i32
    %dma_start3A_135 = arith.constant 0 : i32
    %dma_start3A_136 = tpu.memref_slice %arg4[%mul3A_126, %dma_start3A_134, %dma_start3A_135] : memref<16384x50x64xf32, #tpu.memory_space<hbm>> -> memref<2x50x64xf32, #tpu.memory_space<hbm>>
    %dma_start3A_137 = tpu.memref_slice %arg9[%dma_start3A_128] : memref<2x!tpu.dma_semaphore, #tpu.memory_space<semaphore_mem>> -> memref<1x!tpu.dma_semaphore, #tpu.memory_space<semaphore_mem>>
    %dma_start3A_138 = tpu.memref_squeeze %dma_start3A_137 : memref<1x!tpu.dma_semaphore, #tpu.memory_space<semaphore_mem>> -> memref<!tpu.dma_semaphore, #tpu.memory_space<semaphore_mem>>
    %dma_start3A_139 = arith.constant 0 : i32
    %dma_start3A_140 = arith.constant 0 : i32
    %dma_start3A_141 = tpu.memref_slice %arg4[%mul3A_126, %dma_start3A_139, %dma_start3A_140] : memref<16384x50x64xf32, #tpu.memory_space<hbm>> -> memref<2x50x64xf32, #tpu.memory_space<hbm>>
    %dma_start3A_142 = arith.constant 0 : i32
    %dma_start3A_143 = arith.constant 0 : i32
    %dma_start3A_144 = arith.constant 0 : i32
    %dma_start3A_145 = tpu.memref_slice %arg7[%dma_start3A_127, %dma_start3A_142, %dma_start3A_143, %dma_start3A_144] : memref<2x2x50x64xf32, #tpu.memory_space<vmem>> -> memref<1x2x50x64xf32, #tpu.memory_space<vmem>>
    %dma_start3A_146 = tpu.memref_squeeze %dma_start3A_145 : memref<1x2x50x64xf32, #tpu.memory_space<vmem>> -> memref<2x50x64xf32, #tpu.memory_space<vmem>>
    tpu.enqueue_dma source(%dma_start3A_146 : memref<2x50x64xf32, #tpu.memory_space<vmem>>) target(%dma_start3A_141 : memref<2x50x64xf32, #tpu.memory_space<hbm>>) target_semaphore(%dma_start3A_138 : memref<!tpu.dma_semaphore, #tpu.memory_space<semaphore_mem>>)
    %dma_start3A_147 = arith.constant 3 : i32
    %dma_start3A_148 = arith.constant 1 : i32
    %dma_start3A_149 = arith.constant 1 : i32
    %dma_start3A_150 = arith.constant 0 : i32
    %dma_start3A_151 = arith.constant 0 : i32
    %dma_start3A_152 = tpu.memref_slice %arg6[%dma_start3A_148, %dma_start3A_150, %dma_start3A_151] : memref<2x100x128xf32, #tpu.memory_space<vmem>> -> memref<1x100x128xf32, #tpu.memory_space<vmem>>
    %dma_start3A_153 = tpu.memref_squeeze %dma_start3A_152 : memref<1x100x128xf32, #tpu.memory_space<vmem>> -> memref<100x128xf32, #tpu.memory_space<vmem>>
    %dma_start3A_154 = arith.constant 0 : i32
    %dma_start3A_155 = tpu.memref_slice %arg5[%dma_start3A_147, %dma_start3A_154] : memref<256x100xi32, #tpu.memory_space<vmem>> -> memref<1x100xi32, #tpu.memory_space<vmem>>
    %dma_start3A_156 = tpu.memref_squeeze %dma_start3A_155 : memref<1x100xi32, #tpu.memory_space<vmem>> -> memref<100xi32, #tpu.memory_space<vmem>>
    %dma_start3A_157 = arith.constant 0 : i32
    %dma_start3A_158 = arith.constant 0 : i32
    %dma_start3A_159 = tpu.memref_slice %arg2[%dma_start3A_157, %dma_start3A_158] : memref<1000000x128xf32, #tpu.memory_space<hbm>> -> memref<1000000x128xf32, #tpu.memory_space<hbm>>
    %dma_start3A_160 = tpu.memref_slice %arg8[%dma_start3A_149] : memref<2x!tpu.dma_semaphore, #tpu.memory_space<semaphore_mem>> -> memref<1x!tpu.dma_semaphore, #tpu.memory_space<semaphore_mem>>
    %dma_start3A_161 = tpu.memref_squeeze %dma_start3A_160 : memref<1x!tpu.dma_semaphore, #tpu.memory_space<semaphore_mem>> -> memref<!tpu.dma_semaphore, #tpu.memory_space<semaphore_mem>>
    tpu.enqueue_indirect_dma source(%dma_start3A_159 : memref<1000000x128xf32, #tpu.memory_space<hbm>>) target(%dma_start3A_153 : memref<100x128xf32, #tpu.memory_space<vmem>>) offsets(%dma_start3A_156 : memref<100xi32, #tpu.memory_space<vmem>>) semaphore(%dma_start3A_161 : memref<!tpu.dma_semaphore, #tpu.memory_space<semaphore_mem>>)
    %scan3A_162 = arith.constant 0 : i32
    %scan3A_163 = arith.constant 127 : i32
    %scan3A_164 = arith.addi %scan3A_162, %scan3A_163 : i32
    %scan3A_165 = arith.constant 1 : i32
    scf.for %scan3A_219 = %scan3A_162 to %scan3A_164 step %scan3A_165  : i32 {
      %mul3A_220 = arith.constant 1 : i32
      %mul3A_221 = arith.muli %scan3A_219, %mul3A_220 : i32
      %add3A_222 = arith.constant 1 : i32
      %add3A_223 = arith.addi %add3A_222, %mul3A_221 : i32
      %mul3A_224 = arith.constant 2 : i32
      %mul3A_225 = arith.muli %add3A_223, %mul3A_224 : i32
      %add3A_226 = arith.constant 0 : i32
      %add3A_227 = arith.addi %mul3A_225, %add3A_226 : i32
      %dma_wait3A_228 = arith.constant 0 : i32
      %dma_wait3A_229 = arith.constant 0 : i32
      %dma_wait3A_230 = arith.constant 0 : i32
      %dma_wait3A_231 = arith.constant 0 : i32
      %dma_wait3A_232 = tpu.memref_slice %arg6[%dma_wait3A_228, %dma_wait3A_230, %dma_wait3A_231] : memref<2x100x128xf32, #tpu.memory_space<vmem>> -> memref<1x100x128xf32, #tpu.memory_space<vmem>>
      %dma_wait3A_233 = tpu.memref_squeeze %dma_wait3A_232 : memref<1x100x128xf32, #tpu.memory_space<vmem>> -> memref<100x128xf32, #tpu.memory_space<vmem>>
      %dma_wait3A_234 = arith.constant 0 : i32
      %dma_wait3A_235 = tpu.memref_slice %arg5[%add3A_227, %dma_wait3A_234] : memref<256x100xi32, #tpu.memory_space<vmem>> -> memref<1x100xi32, #tpu.memory_space<vmem>>
      %dma_wait3A_236 = tpu.memref_squeeze %dma_wait3A_235 : memref<1x100xi32, #tpu.memory_space<vmem>> -> memref<100xi32, #tpu.memory_space<vmem>>
      %dma_wait3A_237 = arith.constant 0 : i32
      %dma_wait3A_238 = arith.constant 0 : i32
      %dma_wait3A_239 = tpu.memref_slice %arg2[%dma_wait3A_237, %dma_wait3A_238] : memref<1000000x128xf32, #tpu.memory_space<hbm>> -> memref<1000000x128xf32, #tpu.memory_space<hbm>>
      %dma_wait3A_240 = tpu.memref_slice %arg8[%dma_wait3A_229] : memref<2x!tpu.dma_semaphore, #tpu.memory_space<semaphore_mem>> -> memref<1x!tpu.dma_semaphore, #tpu.memory_space<semaphore_mem>>
      %dma_wait3A_241 = tpu.memref_squeeze %dma_wait3A_240 : memref<1x!tpu.dma_semaphore, #tpu.memory_space<semaphore_mem>> -> memref<!tpu.dma_semaphore, #tpu.memory_space<semaphore_mem>>
      tpu.wait_indirect_dma semaphore(%dma_wait3A_241 : memref<!tpu.dma_semaphore, #tpu.memory_space<semaphore_mem>>) src(%dma_wait3A_239 : memref<1000000x128xf32, #tpu.memory_space<hbm>>) dst(%dma_wait3A_233 : memref<100x128xf32, #tpu.memory_space<vmem>>)
      %sub3A = arith.constant 2 : i32
      %sub3A_242 = arith.subi %add3A_227, %sub3A : i32
      %mul3A_243 = arith.constant 256 : i32
      %mul3A_244 = arith.muli %add3A, %mul3A_243 : i32
      %add3A_245 = arith.addi %mul3A_244, %sub3A_242 : i32
      %mul3A_246 = arith.constant 2 : i32
      %mul3A_247 = arith.muli %add3A_245, %mul3A_246 : i32
      %dma_wait3A_248 = arith.constant 0 : i32
      %dma_wait3A_249 = arith.constant 0 : i32
      %dma_wait3A_250 = arith.constant 0 : i32
      %dma_wait3A_251 = arith.constant 0 : i32
      %dma_wait3A_252 = arith.constant 0 : i32
      %dma_wait3A_253 = tpu.memref_slice %arg7[%dma_wait3A_248, %dma_wait3A_250, %dma_wait3A_251, %dma_wait3A_252] : memref<2x2x50x64xf32, #tpu.memory_space<vmem>> -> memref<1x2x50x64xf32, #tpu.memory_space<vmem>>
      %dma_wait3A_254 = tpu.memref_squeeze %dma_wait3A_253 : memref<1x2x50x64xf32, #tpu.memory_space<vmem>> -> memref<2x50x64xf32, #tpu.memory_space<vmem>>
      %dma_wait3A_255 = arith.constant 0 : i32
      %dma_wait3A_256 = arith.constant 0 : i32
      %dma_wait3A_257 = tpu.memref_slice %arg4[%mul3A_247, %dma_wait3A_255, %dma_wait3A_256] : memref<16384x50x64xf32, #tpu.memory_space<hbm>> -> memref<2x50x64xf32, #tpu.memory_space<hbm>>
      %dma_wait3A_258 = tpu.memref_slice %arg9[%dma_wait3A_249] : memref<2x!tpu.dma_semaphore, #tpu.memory_space<semaphore_mem>> -> memref<1x!tpu.dma_semaphore, #tpu.memory_space<semaphore_mem>>
      %dma_wait3A_259 = tpu.memref_squeeze %dma_wait3A_258 : memref<1x!tpu.dma_semaphore, #tpu.memory_space<semaphore_mem>> -> memref<!tpu.dma_semaphore, #tpu.memory_space<semaphore_mem>>
      %dma_wait3A_260 = arith.constant 0 : i32
      %dma_wait3A_261 = arith.constant 0 : i32
      %dma_wait3A_262 = tpu.memref_slice %arg4[%mul3A_247, %dma_wait3A_260, %dma_wait3A_261] : memref<16384x50x64xf32, #tpu.memory_space<hbm>> -> memref<2x50x64xf32, #tpu.memory_space<hbm>>
      %dma_wait3A_263 = arith.constant 0 : i32
      %dma_wait3A_264 = arith.constant 0 : i32
      %dma_wait3A_265 = arith.constant 0 : i32
      %dma_wait3A_266 = tpu.memref_slice %arg7[%dma_wait3A_248, %dma_wait3A_263, %dma_wait3A_264, %dma_wait3A_265] : memref<2x2x50x64xf32, #tpu.memory_space<vmem>> -> memref<1x2x50x64xf32, #tpu.memory_space<vmem>>
      %dma_wait3A_267 = tpu.memref_squeeze %dma_wait3A_266 : memref<1x2x50x64xf32, #tpu.memory_space<vmem>> -> memref<2x50x64xf32, #tpu.memory_space<vmem>>
      tpu.wait_dma2 semaphore(%dma_wait3A_259 : memref<!tpu.dma_semaphore, #tpu.memory_space<semaphore_mem>>) src(%dma_wait3A_267 : memref<2x50x64xf32, #tpu.memory_space<vmem>>) dst(%dma_wait3A_262 : memref<2x50x64xf32, #tpu.memory_space<hbm>>)
      %scan3A_268 = arith.constant 0 : i32
      %scan3A_269 = arith.constant 50 : i32
      %scan3A_270 = arith.addi %scan3A_268, %scan3A_269 : i32
      %scan3A_271 = arith.constant 1 : i32
      scf.for %scan3A_394 = %scan3A_268 to %scan3A_270 step %scan3A_271  : i32 {
        %mul3A_395 = arith.constant 1 : i32
        %mul3A_396 = arith.muli %scan3A_394, %mul3A_395 : i32
        %add3A_397 = arith.constant 0 : i32
        %add3A_398 = arith.addi %add3A_397, %mul3A_396 : i32
        %add3A_399 = arith.constant 0 : i32
        %add3A_400 = arith.addi %add3A_399, %add3A_398 : i32
        %get3A = arith.constant 0 : i32
        %get3A_401 = arith.index_cast %get3A : i32 to index
        %get3A_402 = arith.index_cast %add3A_400 : i32 to index
        %get3A_403 = arith.constant 0 : index
        %get3A_404 = tpu.vector_load %arg6[%get3A_401, %get3A_402, %get3A_403] {strides = array<i32>} : memref<2x100x128xf32, #tpu.memory_space<vmem>>, vector<1x1x16xf32>,
        %get3A_405 = vector.shape_cast %get3A_404 : vector<1x1x16xf32> to vector<16xf32>
        %mul3A_406 = arith.constant 8.000000e+00 : f32
        %mul3A_407 = vector.broadcast %mul3A_406 : f32 to vector<16xf32>
        %mul3A_408 = arith.mulf %get3A_405, %mul3A_407 : vector<16xf32>
        %swap3A = arith.constant 0 : i32
        %swap3A_409 = arith.constant 0 : i32
        %swap3A_410 = arith.index_cast %swap3A : i32 to index
        %swap3A_411 = arith.index_cast %swap3A_409 : i32 to index
        %swap3A_412 = arith.index_cast %add3A_398 : i32 to index
        %swap3A_413 = arith.constant 0 : index
        %swap3A_414 = tpu.vector_load %arg7[%swap3A_410, %swap3A_411, %swap3A_412, %swap3A_413] {strides = array<i32>} : memref<2x2x50x64xf32, #tpu.memory_space<vmem>>, vector<1x1x1x16xf32>,
        %swap3A_415 = vector.shape_cast %swap3A_414 : vector<1x1x1x16xf32> to vector<16xf32>
        %swap3A_416 = vector.shape_cast %mul3A_408 : vector<16xf32> to vector<1x1x1x16xf32>
        tpu.vector_store %arg7[%swap3A_410, %swap3A_411, %swap3A_412, %swap3A_413], %swap3A_416 {strides = array<i32>} : memref<2x2x50x64xf32, #tpu.memory_space<vmem>>, vector<1x1x1x16xf32>,
        %add3A_417 = arith.constant 0 : i32
        %add3A_418 = arith.addi %add3A_417, %add3A_398 : i32
        %get3A_419 = arith.constant 0 : i32
        %get3A_420 = arith.index_cast %get3A_419 : i32 to index
        %get3A_421 = arith.index_cast %add3A_418 : i32 to index
        %get3A_422 = arith.constant 16 : index
        %get3A_423 = tpu.vector_load %arg6[%get3A_420, %get3A_421, %get3A_422] {strides = array<i32>} : memref<2x100x128xf32, #tpu.memory_space<vmem>>, vector<1x1x16xf32>,
        %get3A_424 = vector.shape_cast %get3A_423 : vector<1x1x16xf32> to vector<16xf32>
        %mul3A_425 = arith.constant 8.000000e+00 : f32
        %mul3A_426 = vector.broadcast %mul3A_425 : f32 to vector<16xf32>
        %mul3A_427 = arith.mulf %get3A_424, %mul3A_426 : vector<16xf32>
        %swap3A_428 = arith.constant 0 : i32
        %swap3A_429 = arith.constant 0 : i32
        %swap3A_430 = arith.index_cast %swap3A_428 : i32 to index
        %swap3A_431 = arith.index_cast %swap3A_429 : i32 to index
        %swap3A_432 = arith.index_cast %add3A_398 : i32 to index
        %swap3A_433 = arith.constant 16 : index
        %swap3A_434 = tpu.vector_load %arg7[%swap3A_430, %swap3A_431, %swap3A_432, %swap3A_433] {strides = array<i32>} : memref<2x2x50x64xf32, #tpu.memory_space<vmem>>, vector<1x1x1x16xf32>,
        %swap3A_435 = vector.shape_cast %swap3A_434 : vector<1x1x1x16xf32> to vector<16xf32>
        %swap3A_436 = vector.shape_cast %mul3A_427 : vector<16xf32> to vector<1x1x1x16xf32>
        tpu.vector_store %arg7[%swap3A_430, %swap3A_431, %swap3A_432, %swap3A_433], %swap3A_436 {strides = array<i32>} : memref<2x2x50x64xf32, #tpu.memory_space<vmem>>, vector<1x1x1x16xf32>,
        %add3A_437 = arith.constant 0 : i32
        %add3A_438 = arith.addi %add3A_437, %add3A_398 : i32
        %get3A_439 = arith.constant 0 : i32
        %get3A_440 = arith.index_cast %get3A_439 : i32 to index
        %get3A_441 = arith.index_cast %add3A_438 : i32 to index
        %get3A_442 = arith.constant 32 : index
        %get3A_443 = tpu.vector_load %arg6[%get3A_440, %get3A_441, %get3A_442] {strides = array<i32>} : memref<2x100x128xf32, #tpu.memory_space<vmem>>, vector<1x1x16xf32>,
        %get3A_444 = vector.shape_cast %get3A_443 : vector<1x1x16xf32> to vector<16xf32>
        %mul3A_445 = arith.constant 8.000000e+00 : f32
        %mul3A_446 = vector.broadcast %mul3A_445 : f32 to vector<16xf32>
        %mul3A_447 = arith.mulf %get3A_444, %mul3A_446 : vector<16xf32>
        %swap3A_448 = arith.constant 0 : i32
        %swap3A_449 = arith.constant 0 : i32
        %swap3A_450 = arith.index_cast %swap3A_448 : i32 to index
        %swap3A_451 = arith.index_cast %swap3A_449 : i32 to index
        %swap3A_452 = arith.index_cast %add3A_398 : i32 to index
        %swap3A_453 = arith.constant 32 : index
        %swap3A_454 = tpu.vector_load %arg7[%swap3A_450, %swap3A_451, %swap3A_452, %swap3A_453] {strides = array<i32>} : memref<2x2x50x64xf32, #tpu.memory_space<vmem>>, vector<1x1x1x16xf32>,
        %swap3A_455 = vector.shape_cast %swap3A_454 : vector<1x1x1x16xf32> to vector<16xf32>
        %swap3A_456 = vector.shape_cast %mul3A_447 : vector<16xf32> to vector<1x1x1x16xf32>
        tpu.vector_store %arg7[%swap3A_450, %swap3A_451, %swap3A_452, %swap3A_453], %swap3A_456 {strides = array<i32>} : memref<2x2x50x64xf32, #tpu.memory_space<vmem>>, vector<1x1x1x16xf32>,
        %add3A_457 = arith.constant 0 : i32
        %add3A_458 = arith.addi %add3A_457, %add3A_398 : i32
        %get3A_459 = arith.constant 0 : i32
        %get3A_460 = arith.index_cast %get3A_459 : i32 to index
        %get3A_461 = arith.index_cast %add3A_458 : i32 to index
        %get3A_462 = arith.constant 48 : index
        %get3A_463 = tpu.vector_load %arg6[%get3A_460, %get3A_461, %get3A_462] {strides = array<i32>} : memref<2x100x128xf32, #tpu.memory_space<vmem>>, vector<1x1x16xf32>,
        %get3A_464 = vector.shape_cast %get3A_463 : vector<1x1x16xf32> to vector<16xf32>
        %mul3A_465 = arith.constant 8.000000e+00 : f32
        %mul3A_466 = vector.broadcast %mul3A_465 : f32 to vector<16xf32>
        %mul3A_467 = arith.mulf %get3A_464, %mul3A_466 : vector<16xf32>
        %swap3A_468 = arith.constant 0 : i32
        %swap3A_469 = arith.constant 0 : i32
        %swap3A_470 = arith.index_cast %swap3A_468 : i32 to index
        %swap3A_471 = arith.index_cast %swap3A_469 : i32 to index
        %swap3A_472 = arith.index_cast %add3A_398 : i32 to index
        %swap3A_473 = arith.constant 48 : index
        %swap3A_474 = tpu.vector_load %arg7[%swap3A_470, %swap3A_471, %swap3A_472, %swap3A_473] {strides = array<i32>} : memref<2x2x50x64xf32, #tpu.memory_space<vmem>>, vector<1x1x1x16xf32>,
        %swap3A_475 = vector.shape_cast %swap3A_474 : vector<1x1x1x16xf32> to vector<16xf32>
        %swap3A_476 = vector.shape_cast %mul3A_467 : vector<16xf32> to vector<1x1x1x16xf32>
        tpu.vector_store %arg7[%swap3A_470, %swap3A_471, %swap3A_472, %swap3A_473], %swap3A_476 {strides = array<i32>} : memref<2x2x50x64xf32, #tpu.memory_space<vmem>>, vector<1x1x1x16xf32>,
      }
      %scan3A_272 = arith.constant 50 : i32
      %scan3A_273 = arith.constant 0 : i32
      %scan3A_274 = arith.constant 50 : i32
      %scan3A_275 = arith.addi %scan3A_273, %scan3A_274 : i32
      %scan3A_276 = arith.constant 1 : i32
      scf.for %scan3A_394 = %scan3A_273 to %scan3A_275 step %scan3A_276  : i32 {
        %mul3A_395 = arith.constant 1 : i32
        %mul3A_396 = arith.muli %scan3A_394, %mul3A_395 : i32
        %add3A_397 = arith.constant 0 : i32
        %add3A_398 = arith.addi %add3A_397, %mul3A_396 : i32
        %add3A_399 = arith.constant 50 : i32
        %add3A_400 = arith.addi %add3A_399, %add3A_398 : i32
        %get3A = arith.constant 0 : i32
        %get3A_401 = arith.index_cast %get3A : i32 to index
        %get3A_402 = arith.index_cast %add3A_400 : i32 to index
        %get3A_403 = arith.constant 0 : index
        %get3A_404 = tpu.vector_load %arg6[%get3A_401, %get3A_402, %get3A_403] {strides = array<i32>} : memref<2x100x128xf32, #tpu.memory_space<vmem>>, vector<1x1x16xf32>,
        %get3A_405 = vector.shape_cast %get3A_404 : vector<1x1x16xf32> to vector<16xf32>
        %mul3A_406 = arith.constant 8.000000e+00 : f32
        %mul3A_407 = vector.broadcast %mul3A_406 : f32 to vector<16xf32>
        %mul3A_408 = arith.mulf %get3A_405, %mul3A_407 : vector<16xf32>
        %swap3A = arith.constant 0 : i32
        %swap3A_409 = arith.constant 1 : i32
        %swap3A_410 = arith.index_cast %swap3A : i32 to index
        %swap3A_411 = arith.index_cast %swap3A_409 : i32 to index
        %swap3A_412 = arith.index_cast %add3A_398 : i32 to index
        %swap3A_413 = arith.constant 0 : index
        %swap3A_414 = tpu.vector_load %arg7[%swap3A_410, %swap3A_411, %swap3A_412, %swap3A_413] {strides = array<i32>} : memref<2x2x50x64xf32, #tpu.memory_space<vmem>>, vector<1x1x1x16xf32>,
        %swap3A_415 = vector.shape_cast %swap3A_414 : vector<1x1x1x16xf32> to vector<16xf32>
        %swap3A_416 = vector.shape_cast %mul3A_408 : vector<16xf32> to vector<1x1x1x16xf32>
        tpu.vector_store %arg7[%swap3A_410, %swap3A_411, %swap3A_412, %swap3A_413], %swap3A_416 {strides = array<i32>} : memref<2x2x50x64xf32, #tpu.memory_space<vmem>>, vector<1x1x1x16xf32>,
        %add3A_417 = arith.constant 50 : i32
        %add3A_418 = arith.addi %add3A_417, %add3A_398 : i32
        %get3A_419 = arith.constant 0 : i32
        %get3A_420 = arith.index_cast %get3A_419 : i32 to index
        %get3A_421 = arith.index_cast %add3A_418 : i32 to index
        %get3A_422 = arith.constant 16 : index
        %get3A_423 = tpu.vector_load %arg6[%get3A_420, %get3A_421, %get3A_422] {strides = array<i32>} : memref<2x100x128xf32, #tpu.memory_space<vmem>>, vector<1x1x16xf32>,
        %get3A_424 = vector.shape_cast %get3A_423 : vector<1x1x16xf32> to vector<16xf32>
        %mul3A_425 = arith.constant 8.000000e+00 : f32
        %mul3A_426 = vector.broadcast %mul3A_425 : f32 to vector<16xf32>
        %mul3A_427 = arith.mulf %get3A_424, %mul3A_426 : vector<16xf32>
        %swap3A_428 = arith.constant 0 : i32
        %swap3A_429 = arith.constant 1 : i32
        %swap3A_430 = arith.index_cast %swap3A_428 : i32 to index
        %swap3A_431 = arith.index_cast %swap3A_429 : i32 to index
        %swap3A_432 = arith.index_cast %add3A_398 : i32 to index
        %swap3A_433 = arith.constant 16 : index
        %swap3A_434 = tpu.vector_load %arg7[%swap3A_430, %swap3A_431, %swap3A_432, %swap3A_433] {strides = array<i32>} : memref<2x2x50x64xf32, #tpu.memory_space<vmem>>, vector<1x1x1x16xf32>,
        %swap3A_435 = vector.shape_cast %swap3A_434 : vector<1x1x1x16xf32> to vector<16xf32>
        %swap3A_436 = vector.shape_cast %mul3A_427 : vector<16xf32> to vector<1x1x1x16xf32>
        tpu.vector_store %arg7[%swap3A_430, %swap3A_431, %swap3A_432, %swap3A_433], %swap3A_436 {strides = array<i32>} : memref<2x2x50x64xf32, #tpu.memory_space<vmem>>, vector<1x1x1x16xf32>,
        %add3A_437 = arith.constant 50 : i32
        %add3A_438 = arith.addi %add3A_437, %add3A_398 : i32
        %get3A_439 = arith.constant 0 : i32
        %get3A_440 = arith.index_cast %get3A_439 : i32 to index
        %get3A_441 = arith.index_cast %add3A_438 : i32 to index
        %get3A_442 = arith.constant 32 : index
        %get3A_443 = tpu.vector_load %arg6[%get3A_440, %get3A_441, %get3A_442] {strides = array<i32>} : memref<2x100x128xf32, #tpu.memory_space<vmem>>, vector<1x1x16xf32>,
        %get3A_444 = vector.shape_cast %get3A_443 : vector<1x1x16xf32> to vector<16xf32>
        %mul3A_445 = arith.constant 8.000000e+00 : f32
        %mul3A_446 = vector.broadcast %mul3A_445 : f32 to vector<16xf32>
        %mul3A_447 = arith.mulf %get3A_444, %mul3A_446 : vector<16xf32>
        %swap3A_448 = arith.constant 0 : i32
        %swap3A_449 = arith.constant 1 : i32
        %swap3A_450 = arith.index_cast %swap3A_448 : i32 to index
        %swap3A_451 = arith.index_cast %swap3A_449 : i32 to index
        %swap3A_452 = arith.index_cast %add3A_398 : i32 to index
        %swap3A_453 = arith.constant 32 : index
        %swap3A_454 = tpu.vector_load %arg7[%swap3A_450, %swap3A_451, %swap3A_452, %swap3A_453] {strides = array<i32>} : memref<2x2x50x64xf32, #tpu.memory_space<vmem>>, vector<1x1x1x16xf32>,
        %swap3A_455 = vector.shape_cast %swap3A_454 : vector<1x1x1x16xf32> to vector<16xf32>
        %swap3A_456 = vector.shape_cast %mul3A_447 : vector<16xf32> to vector<1x1x1x16xf32>
        tpu.vector_store %arg7[%swap3A_450, %swap3A_451, %swap3A_452, %swap3A_453], %swap3A_456 {strides = array<i32>} : memref<2x2x50x64xf32, #tpu.memory_space<vmem>>, vector<1x1x1x16xf32>,
        %add3A_457 = arith.constant 50 : i32
        %add3A_458 = arith.addi %add3A_457, %add3A_398 : i32
        %get3A_459 = arith.constant 0 : i32
        %get3A_460 = arith.index_cast %get3A_459 : i32 to index
        %get3A_461 = arith.index_cast %add3A_458 : i32 to index
        %get3A_462 = arith.constant 48 : index
        %get3A_463 = tpu.vector_load %arg6[%get3A_460, %get3A_461, %get3A_462] {strides = array<i32>} : memref<2x100x128xf32, #tpu.memory_space<vmem>>, vector<1x1x16xf32>,
        %get3A_464 = vector.shape_cast %get3A_463 : vector<1x1x16xf32> to vector<16xf32>
        %mul3A_465 = arith.constant 8.000000e+00 : f32
        %mul3A_466 = vector.broadcast %mul3A_465 : f32 to vector<16xf32>
        %mul3A_467 = arith.mulf %get3A_464, %mul3A_466 : vector<16xf32>
        %swap3A_468 = arith.constant 0 : i32
        %swap3A_469 = arith.constant 1 : i32
        %swap3A_470 = arith.index_cast %swap3A_468 : i32 to index
        %swap3A_471 = arith.index_cast %swap3A_469 : i32 to index
        %swap3A_472 = arith.index_cast %add3A_398 : i32 to index
        %swap3A_473 = arith.constant 48 : index
        %swap3A_474 = tpu.vector_load %arg7[%swap3A_470, %swap3A_471, %swap3A_472, %swap3A_473] {strides = array<i32>} : memref<2x2x50x64xf32, #tpu.memory_space<vmem>>, vector<1x1x1x16xf32>,
        %swap3A_475 = vector.shape_cast %swap3A_474 : vector<1x1x1x16xf32> to vector<16xf32>
        %swap3A_476 = vector.shape_cast %mul3A_467 : vector<16xf32> to vector<1x1x1x16xf32>
        tpu.vector_store %arg7[%swap3A_470, %swap3A_471, %swap3A_472, %swap3A_473], %swap3A_476 {strides = array<i32>} : memref<2x2x50x64xf32, #tpu.memory_space<vmem>>, vector<1x1x1x16xf32>,
      }
      %scan3A_277 = arith.constant 50 : i32
      %mul3A_278 = arith.constant 256 : i32
      %mul3A_279 = arith.muli %add3A, %mul3A_278 : i32
      %add3A_280 = arith.addi %mul3A_279, %add3A_227 : i32
      %mul3A_281 = arith.constant 2 : i32
      %mul3A_282 = arith.muli %add3A_280, %mul3A_281 : i32
      %dma_start3A_283 = arith.constant 0 : i32
      %dma_start3A_284 = arith.constant 0 : i32
      %dma_start3A_285 = arith.constant 0 : i32
      %dma_start3A_286 = arith.constant 0 : i32
      %dma_start3A_287 = arith.constant 0 : i32
      %dma_start3A_288 = tpu.memref_slice %arg7[%dma_start3A_283, %dma_start3A_285, %dma_start3A_286, %dma_start3A_287] : memref<2x2x50x64xf32, #tpu.memory_space<vmem>> -> memref<1x2x50x64xf32, #tpu.memory_space<vmem>>
      %dma_start3A_289 = tpu.memref_squeeze %dma_start3A_288 : memref<1x2x50x64xf32, #tpu.memory_space<vmem>> -> memref<2x50x64xf32, #tpu.memory_space<vmem>>
      %dma_start3A_290 = arith.constant 0 : i32
      %dma_start3A_291 = arith.constant 0 : i32
      %dma_start3A_292 = tpu.memref_slice %arg4[%mul3A_282, %dma_start3A_290, %dma_start3A_291] : memref<16384x50x64xf32, #tpu.memory_space<hbm>> -> memref<2x50x64xf32, #tpu.memory_space<hbm>>
      %dma_start3A_293 = tpu.memref_slice %arg9[%dma_start3A_284] : memref<2x!tpu.dma_semaphore, #tpu.memory_space<semaphore_mem>> -> memref<1x!tpu.dma_semaphore, #tpu.memory_space<semaphore_mem>>
      %dma_start3A_294 = tpu.memref_squeeze %dma_start3A_293 : memref<1x!tpu.dma_semaphore, #tpu.memory_space<semaphore_mem>> -> memref<!tpu.dma_semaphore, #tpu.memory_space<semaphore_mem>>
      %dma_start3A_295 = arith.constant 0 : i32
      %dma_start3A_296 = arith.constant 0 : i32
      %dma_start3A_297 = tpu.memref_slice %arg4[%mul3A_282, %dma_start3A_295, %dma_start3A_296] : memref<16384x50x64xf32, #tpu.memory_space<hbm>> -> memref<2x50x64xf32, #tpu.memory_space<hbm>>
      %dma_start3A_298 = arith.constant 0 : i32
      %dma_start3A_299 = arith.constant 0 : i32
      %dma_start3A_300 = arith.constant 0 : i32
      %dma_start3A_301 = tpu.memref_slice %arg7[%dma_start3A_283, %dma_start3A_298, %dma_start3A_299, %dma_start3A_300] : memref<2x2x50x64xf32, #tpu.memory_space<vmem>> -> memref<1x2x50x64xf32, #tpu.memory_space<vmem>>
      %dma_start3A_302 = tpu.memref_squeeze %dma_start3A_301 : memref<1x2x50x64xf32, #tpu.memory_space<vmem>> -> memref<2x50x64xf32, #tpu.memory_space<vmem>>
      tpu.enqueue_dma source(%dma_start3A_302 : memref<2x50x64xf32, #tpu.memory_space<vmem>>) target(%dma_start3A_297 : memref<2x50x64xf32, #tpu.memory_space<hbm>>) target_semaphore(%dma_start3A_294 : memref<!tpu.dma_semaphore, #tpu.memory_space<semaphore_mem>>)
      %add3A_303 = arith.constant 2 : i32
      %add3A_304 = arith.addi %add3A_227, %add3A_303 : i32
      %lt3A = arith.constant 256 : i32
      %lt3A_305 = arith.cmpi slt, %add3A_304, %lt3A : i32
      %convert_element_type3A = arith.extui %lt3A_305 : i1 to i32
      %cond3A = arith.constant 0 : i32
      %cond3A_306 = arith.cmpi ne, %convert_element_type3A, %cond3A : i32
      scf.if %cond3A_306 {
        %add3A_394 = arith.constant 2 : i32
        %add3A_395 = arith.addi %add3A_227, %add3A_394 : i32
        %dma_start3A_396 = arith.constant 0 : i32
        %dma_start3A_397 = arith.constant 0 : i32
        %dma_start3A_398 = arith.constant 0 : i32
        %dma_start3A_399 = arith.constant 0 : i32
        %dma_start3A_400 = tpu.memref_slice %arg6[%dma_start3A_396, %dma_start3A_398, %dma_start3A_399] : memref<2x100x128xf32, #tpu.memory_space<vmem>> -> memref<1x100x128xf32, #tpu.memory_space<vmem>>
        %dma_start3A_401 = tpu.memref_squeeze %dma_start3A_400 : memref<1x100x128xf32, #tpu.memory_space<vmem>> -> memref<100x128xf32, #tpu.memory_space<vmem>>
        %dma_start3A_402 = arith.constant 0 : i32
        %dma_start3A_403 = tpu.memref_slice %arg5[%add3A_395, %dma_start3A_402] : memref<256x100xi32, #tpu.memory_space<vmem>> -> memref<1x100xi32, #tpu.memory_space<vmem>>
        %dma_start3A_404 = tpu.memref_squeeze %dma_start3A_403 : memref<1x100xi32, #tpu.memory_space<vmem>> -> memref<100xi32, #tpu.memory_space<vmem>>
        %dma_start3A_405 = arith.constant 0 : i32
        %dma_start3A_406 = arith.constant 0 : i32
        %dma_start3A_407 = tpu.memref_slice %arg2[%dma_start3A_405, %dma_start3A_406] : memref<1000000x128xf32, #tpu.memory_space<hbm>> -> memref<1000000x128xf32, #tpu.memory_space<hbm>>
        %dma_start3A_408 = tpu.memref_slice %arg8[%dma_start3A_397] : memref<2x!tpu.dma_semaphore, #tpu.memory_space<semaphore_mem>> -> memref<1x!tpu.dma_semaphore, #tpu.memory_space<semaphore_mem>>
        %dma_start3A_409 = tpu.memref_squeeze %dma_start3A_408 : memref<1x!tpu.dma_semaphore, #tpu.memory_space<semaphore_mem>> -> memref<!tpu.dma_semaphore, #tpu.memory_space<semaphore_mem>>
        tpu.enqueue_indirect_dma source(%dma_start3A_407 : memref<1000000x128xf32, #tpu.memory_space<hbm>>) target(%dma_start3A_401 : memref<100x128xf32, #tpu.memory_space<vmem>>) offsets(%dma_start3A_404 : memref<100xi32, #tpu.memory_space<vmem>>) semaphore(%dma_start3A_409 : memref<!tpu.dma_semaphore, #tpu.memory_space<semaphore_mem>>)
      } else {
      }
      %mul3A_307 = arith.constant 2 : i32
      %mul3A_308 = arith.muli %add3A_223, %mul3A_307 : i32
      %add3A_309 = arith.constant 1 : i32
      %add3A_310 = arith.addi %mul3A_308, %add3A_309 : i32
      %dma_wait3A_311 = arith.constant 1 : i32
      %dma_wait3A_312 = arith.constant 1 : i32
      %dma_wait3A_313 = arith.constant 0 : i32
      %dma_wait3A_314 = arith.constant 0 : i32
      %dma_wait3A_315 = tpu.memref_slice %arg6[%dma_wait3A_311, %dma_wait3A_313, %dma_wait3A_314] : memref<2x100x128xf32, #tpu.memory_space<vmem>> -> memref<1x100x128xf32, #tpu.memory_space<vmem>>
      %dma_wait3A_316 = tpu.memref_squeeze %dma_wait3A_315 : memref<1x100x128xf32, #tpu.memory_space<vmem>> -> memref<100x128xf32, #tpu.memory_space<vmem>>
      %dma_wait3A_317 = arith.constant 0 : i32
      %dma_wait3A_318 = tpu.memref_slice %arg5[%add3A_310, %dma_wait3A_317] : memref<256x100xi32, #tpu.memory_space<vmem>> -> memref<1x100xi32, #tpu.memory_space<vmem>>
      %dma_wait3A_319 = tpu.memref_squeeze %dma_wait3A_318 : memref<1x100xi32, #tpu.memory_space<vmem>> -> memref<100xi32, #tpu.memory_space<vmem>>
      %dma_wait3A_320 = arith.constant 0 : i32
      %dma_wait3A_321 = arith.constant 0 : i32
      %dma_wait3A_322 = tpu.memref_slice %arg2[%dma_wait3A_320, %dma_wait3A_321] : memref<1000000x128xf32, #tpu.memory_space<hbm>> -> memref<1000000x128xf32, #tpu.memory_space<hbm>>
      %dma_wait3A_323 = tpu.memref_slice %arg8[%dma_wait3A_312] : memref<2x!tpu.dma_semaphore, #tpu.memory_space<semaphore_mem>> -> memref<1x!tpu.dma_semaphore, #tpu.memory_space<semaphore_mem>>
      %dma_wait3A_324 = tpu.memref_squeeze %dma_wait3A_323 : memref<1x!tpu.dma_semaphore, #tpu.memory_space<semaphore_mem>> -> memref<!tpu.dma_semaphore, #tpu.memory_space<semaphore_mem>>
      tpu.wait_indirect_dma semaphore(%dma_wait3A_324 : memref<!tpu.dma_semaphore, #tpu.memory_space<semaphore_mem>>) src(%dma_wait3A_322 : memref<1000000x128xf32, #tpu.memory_space<hbm>>) dst(%dma_wait3A_316 : memref<100x128xf32, #tpu.memory_space<vmem>>)
      %sub3A_325 = arith.constant 2 : i32
      %sub3A_326 = arith.subi %add3A_310, %sub3A_325 : i32
      %mul3A_327 = arith.constant 256 : i32
      %mul3A_328 = arith.muli %add3A, %mul3A_327 : i32
      %add3A_329 = arith.addi %mul3A_328, %sub3A_326 : i32
      %mul3A_330 = arith.constant 2 : i32
      %mul3A_331 = arith.muli %add3A_329, %mul3A_330 : i32
      %dma_wait3A_332 = arith.constant 1 : i32
      %dma_wait3A_333 = arith.constant 1 : i32
      %dma_wait3A_334 = arith.constant 0 : i32
      %dma_wait3A_335 = arith.constant 0 : i32
      %dma_wait3A_336 = arith.constant 0 : i32
      %dma_wait3A_337 = tpu.memref_slice %arg7[%dma_wait3A_332, %dma_wait3A_334, %dma_wait3A_335, %dma_wait3A_336] : memref<2x2x50x64xf32, #tpu.memory_space<vmem>> -> memref<1x2x50x64xf32, #tpu.memory_space<vmem>>
      %dma_wait3A_338 = tpu.memref_squeeze %dma_wait3A_337 : memref<1x2x50x64xf32, #tpu.memory_space<vmem>> -> memref<2x50x64xf32, #tpu.memory_space<vmem>>
      %dma_wait3A_339 = arith.constant 0 : i32
      %dma_wait3A_340 = arith.constant 0 : i32
      %dma_wait3A_341 = tpu.memref_slice %arg4[%mul3A_331, %dma_wait3A_339, %dma_wait3A_340] : memref<16384x50x64xf32, #tpu.memory_space<hbm>> -> memref<2x50x64xf32, #tpu.memory_space<hbm>>
      %dma_wait3A_342 = tpu.memref_slice %arg9[%dma_wait3A_333] : memref<2x!tpu.dma_semaphore, #tpu.memory_space<semaphore_mem>> -> memref<1x!tpu.dma_semaphore, #tpu.memory_space<semaphore_mem>>
      %dma_wait3A_343 = tpu.memref_squeeze %dma_wait3A_342 : memref<1x!tpu.dma_semaphore, #tpu.memory_space<semaphore_mem>> -> memref<!tpu.dma_semaphore, #tpu.memory_space<semaphore_mem>>
      %dma_wait3A_344 = arith.constant 0 : i32
      %dma_wait3A_345 = arith.constant 0 : i32
      %dma_wait3A_346 = tpu.memref_slice %arg4[%mul3A_331, %dma_wait3A_344, %dma_wait3A_345] : memref<16384x50x64xf32, #tpu.memory_space<hbm>> -> memref<2x50x64xf32, #tpu.memory_space<hbm>>
      %dma_wait3A_347 = arith.constant 0 : i32
      %dma_wait3A_348 = arith.constant 0 : i32
      %dma_wait3A_349 = arith.constant 0 : i32
      %dma_wait3A_350 = tpu.memref_slice %arg7[%dma_wait3A_332, %dma_wait3A_347, %dma_wait3A_348, %dma_wait3A_349] : memref<2x2x50x64xf32, #tpu.memory_space<vmem>> -> memref<1x2x50x64xf32, #tpu.memory_space<vmem>>
      %dma_wait3A_351 = tpu.memref_squeeze %dma_wait3A_350 : memref<1x2x50x64xf32, #tpu.memory_space<vmem>> -> memref<2x50x64xf32, #tpu.memory_space<vmem>>
      tpu.wait_dma2 semaphore(%dma_wait3A_343 : memref<!tpu.dma_semaphore, #tpu.memory_space<semaphore_mem>>) src(%dma_wait3A_351 : memref<2x50x64xf32, #tpu.memory_space<vmem>>) dst(%dma_wait3A_346 : memref<2x50x64xf32, #tpu.memory_space<hbm>>)
      %scan3A_352 = arith.constant 0 : i32
      %scan3A_353 = arith.constant 50 : i32
      %scan3A_354 = arith.addi %scan3A_352, %scan3A_353 : i32
      %scan3A_355 = arith.constant 1 : i32
      scf.for %scan3A_394 = %scan3A_352 to %scan3A_354 step %scan3A_355  : i32 {
        %mul3A_395 = arith.constant 1 : i32
        %mul3A_396 = arith.muli %scan3A_394, %mul3A_395 : i32
        %add3A_397 = arith.constant 0 : i32
        %add3A_398 = arith.addi %add3A_397, %mul3A_396 : i32
        %add3A_399 = arith.constant 0 : i32
        %add3A_400 = arith.addi %add3A_399, %add3A_398 : i32
        %get3A = arith.constant 1 : i32
        %get3A_401 = arith.index_cast %get3A : i32 to index
        %get3A_402 = arith.index_cast %add3A_400 : i32 to index
        %get3A_403 = arith.constant 0 : index
        %get3A_404 = tpu.vector_load %arg6[%get3A_401, %get3A_402, %get3A_403] {strides = array<i32>} : memref<2x100x128xf32, #tpu.memory_space<vmem>>, vector<1x1x16xf32>,
        %get3A_405 = vector.shape_cast %get3A_404 : vector<1x1x16xf32> to vector<16xf32>
        %mul3A_406 = arith.constant 8.000000e+00 : f32
        %mul3A_407 = vector.broadcast %mul3A_406 : f32 to vector<16xf32>
        %mul3A_408 = arith.mulf %get3A_405, %mul3A_407 : vector<16xf32>
        %swap3A = arith.constant 1 : i32
        %swap3A_409 = arith.constant 0 : i32
        %swap3A_410 = arith.index_cast %swap3A : i32 to index
        %swap3A_411 = arith.index_cast %swap3A_409 : i32 to index
        %swap3A_412 = arith.index_cast %add3A_398 : i32 to index
        %swap3A_413 = arith.constant 0 : index
        %swap3A_414 = tpu.vector_load %arg7[%swap3A_410, %swap3A_411, %swap3A_412, %swap3A_413] {strides = array<i32>} : memref<2x2x50x64xf32, #tpu.memory_space<vmem>>, vector<1x1x1x16xf32>,
        %swap3A_415 = vector.shape_cast %swap3A_414 : vector<1x1x1x16xf32> to vector<16xf32>
        %swap3A_416 = vector.shape_cast %mul3A_408 : vector<16xf32> to vector<1x1x1x16xf32>
        tpu.vector_store %arg7[%swap3A_410, %swap3A_411, %swap3A_412, %swap3A_413], %swap3A_416 {strides = array<i32>} : memref<2x2x50x64xf32, #tpu.memory_space<vmem>>, vector<1x1x1x16xf32>,
        %add3A_417 = arith.constant 0 : i32
        %add3A_418 = arith.addi %add3A_417, %add3A_398 : i32
        %get3A_419 = arith.constant 1 : i32
        %get3A_420 = arith.index_cast %get3A_419 : i32 to index
        %get3A_421 = arith.index_cast %add3A_418 : i32 to index
        %get3A_422 = arith.constant 16 : index
        %get3A_423 = tpu.vector_load %arg6[%get3A_420, %get3A_421, %get3A_422] {strides = array<i32>} : memref<2x100x128xf32, #tpu.memory_space<vmem>>, vector<1x1x16xf32>,
        %get3A_424 = vector.shape_cast %get3A_423 : vector<1x1x16xf32> to vector<16xf32>
        %mul3A_425 = arith.constant 8.000000e+00 : f32
        %mul3A_426 = vector.broadcast %mul3A_425 : f32 to vector<16xf32>
        %mul3A_427 = arith.mulf %get3A_424, %mul3A_426 : vector<16xf32>
        %swap3A_428 = arith.constant 1 : i32
        %swap3A_429 = arith.constant 0 : i32
        %swap3A_430 = arith.index_cast %swap3A_428 : i32 to index
        %swap3A_431 = arith.index_cast %swap3A_429 : i32 to index
        %swap3A_432 = arith.index_cast %add3A_398 : i32 to index
        %swap3A_433 = arith.constant 16 : index
        %swap3A_434 = tpu.vector_load %arg7[%swap3A_430, %swap3A_431, %swap3A_432, %swap3A_433] {strides = array<i32>} : memref<2x2x50x64xf32, #tpu.memory_space<vmem>>, vector<1x1x1x16xf32>,
        %swap3A_435 = vector.shape_cast %swap3A_434 : vector<1x1x1x16xf32> to vector<16xf32>
        %swap3A_436 = vector.shape_cast %mul3A_427 : vector<16xf32> to vector<1x1x1x16xf32>
        tpu.vector_store %arg7[%swap3A_430, %swap3A_431, %swap3A_432, %swap3A_433], %swap3A_436 {strides = array<i32>} : memref<2x2x50x64xf32, #tpu.memory_space<vmem>>, vector<1x1x1x16xf32>,
        %add3A_437 = arith.constant 0 : i32
        %add3A_438 = arith.addi %add3A_437, %add3A_398 : i32
        %get3A_439 = arith.constant 1 : i32
        %get3A_440 = arith.index_cast %get3A_439 : i32 to index
        %get3A_441 = arith.index_cast %add3A_438 : i32 to index
        %get3A_442 = arith.constant 32 : index
        %get3A_443 = tpu.vector_load %arg6[%get3A_440, %get3A_441, %get3A_442] {strides = array<i32>} : memref<2x100x128xf32, #tpu.memory_space<vmem>>, vector<1x1x16xf32>,
        %get3A_444 = vector.shape_cast %get3A_443 : vector<1x1x16xf32> to vector<16xf32>
        %mul3A_445 = arith.constant 8.000000e+00 : f32
        %mul3A_446 = vector.broadcast %mul3A_445 : f32 to vector<16xf32>
        %mul3A_447 = arith.mulf %get3A_444, %mul3A_446 : vector<16xf32>
        %swap3A_448 = arith.constant 1 : i32
        %swap3A_449 = arith.constant 0 : i32
        %swap3A_450 = arith.index_cast %swap3A_448 : i32 to index
        %swap3A_451 = arith.index_cast %swap3A_449 : i32 to index
        %swap3A_452 = arith.index_cast %add3A_398 : i32 to index
        %swap3A_453 = arith.constant 32 : index
        %swap3A_454 = tpu.vector_load %arg7[%swap3A_450, %swap3A_451, %swap3A_452, %swap3A_453] {strides = array<i32>} : memref<2x2x50x64xf32, #tpu.memory_space<vmem>>, vector<1x1x1x16xf32>,
        %swap3A_455 = vector.shape_cast %swap3A_454 : vector<1x1x1x16xf32> to vector<16xf32>
        %swap3A_456 = vector.shape_cast %mul3A_447 : vector<16xf32> to vector<1x1x1x16xf32>
        tpu.vector_store %arg7[%swap3A_450, %swap3A_451, %swap3A_452, %swap3A_453], %swap3A_456 {strides = array<i32>} : memref<2x2x50x64xf32, #tpu.memory_space<vmem>>, vector<1x1x1x16xf32>,
        %add3A_457 = arith.constant 0 : i32
        %add3A_458 = arith.addi %add3A_457, %add3A_398 : i32
        %get3A_459 = arith.constant 1 : i32
        %get3A_460 = arith.index_cast %get3A_459 : i32 to index
        %get3A_461 = arith.index_cast %add3A_458 : i32 to index
        %get3A_462 = arith.constant 48 : index
        %get3A_463 = tpu.vector_load %arg6[%get3A_460, %get3A_461, %get3A_462] {strides = array<i32>} : memref<2x100x128xf32, #tpu.memory_space<vmem>>, vector<1x1x16xf32>,
        %get3A_464 = vector.shape_cast %get3A_463 : vector<1x1x16xf32> to vector<16xf32>
        %mul3A_465 = arith.constant 8.000000e+00 : f32
        %mul3A_466 = vector.broadcast %mul3A_465 : f32 to vector<16xf32>
        %mul3A_467 = arith.mulf %get3A_464, %mul3A_466 : vector<16xf32>
        %swap3A_468 = arith.constant 1 : i32
        %swap3A_469 = arith.constant 0 : i32
        %swap3A_470 = arith.index_cast %swap3A_468 : i32 to index
        %swap3A_471 = arith.index_cast %swap3A_469 : i32 to index
        %swap3A_472 = arith.index_cast %add3A_398 : i32 to index
        %swap3A_473 = arith.constant 48 : index
        %swap3A_474 = tpu.vector_load %arg7[%swap3A_470, %swap3A_471, %swap3A_472, %swap3A_473] {strides = array<i32>} : memref<2x2x50x64xf32, #tpu.memory_space<vmem>>, vector<1x1x1x16xf32>,
        %swap3A_475 = vector.shape_cast %swap3A_474 : vector<1x1x1x16xf32> to vector<16xf32>
        %swap3A_476 = vector.shape_cast %mul3A_467 : vector<16xf32> to vector<1x1x1x16xf32>
        tpu.vector_store %arg7[%swap3A_470, %swap3A_471, %swap3A_472, %swap3A_473], %swap3A_476 {strides = array<i32>} : memref<2x2x50x64xf32, #tpu.memory_space<vmem>>, vector<1x1x1x16xf32>,
      }
      %scan3A_356 = arith.constant 50 : i32
      %scan3A_357 = arith.constant 0 : i32
      %scan3A_358 = arith.constant 50 : i32
      %scan3A_359 = arith.addi %scan3A_357, %scan3A_358 : i32
      %scan3A_360 = arith.constant 1 : i32
      scf.for %scan3A_394 = %scan3A_357 to %scan3A_359 step %scan3A_360  : i32 {
        %mul3A_395 = arith.constant 1 : i32
        %mul3A_396 = arith.muli %scan3A_394, %mul3A_395 : i32
        %add3A_397 = arith.constant 0 : i32
        %add3A_398 = arith.addi %add3A_397, %mul3A_396 : i32
        %add3A_399 = arith.constant 50 : i32
        %add3A_400 = arith.addi %add3A_399, %add3A_398 : i32
        %get3A = arith.constant 1 : i32
        %get3A_401 = arith.index_cast %get3A : i32 to index
        %get3A_402 = arith.index_cast %add3A_400 : i32 to index
        %get3A_403 = arith.constant 0 : index
        %get3A_404 = tpu.vector_load %arg6[%get3A_401, %get3A_402, %get3A_403] {strides = array<i32>} : memref<2x100x128xf32, #tpu.memory_space<vmem>>, vector<1x1x16xf32>,
        %get3A_405 = vector.shape_cast %get3A_404 : vector<1x1x16xf32> to vector<16xf32>
        %mul3A_406 = arith.constant 8.000000e+00 : f32
        %mul3A_407 = vector.broadcast %mul3A_406 : f32 to vector<16xf32>
        %mul3A_408 = arith.mulf %get3A_405, %mul3A_407 : vector<16xf32>
        %swap3A = arith.constant 1 : i32
        %swap3A_409 = arith.constant 1 : i32
        %swap3A_410 = arith.index_cast %swap3A : i32 to index
        %swap3A_411 = arith.index_cast %swap3A_409 : i32 to index
        %swap3A_412 = arith.index_cast %add3A_398 : i32 to index
        %swap3A_413 = arith.constant 0 : index
        %swap3A_414 = tpu.vector_load %arg7[%swap3A_410, %swap3A_411, %swap3A_412, %swap3A_413] {strides = array<i32>} : memref<2x2x50x64xf32, #tpu.memory_space<vmem>>, vector<1x1x1x16xf32>,
        %swap3A_415 = vector.shape_cast %swap3A_414 : vector<1x1x1x16xf32> to vector<16xf32>
        %swap3A_416 = vector.shape_cast %mul3A_408 : vector<16xf32> to vector<1x1x1x16xf32>
        tpu.vector_store %arg7[%swap3A_410, %swap3A_411, %swap3A_412, %swap3A_413], %swap3A_416 {strides = array<i32>} : memref<2x2x50x64xf32, #tpu.memory_space<vmem>>, vector<1x1x1x16xf32>,
        %add3A_417 = arith.constant 50 : i32
        %add3A_418 = arith.addi %add3A_417, %add3A_398 : i32
        %get3A_419 = arith.constant 1 : i32
        %get3A_420 = arith.index_cast %get3A_419 : i32 to index
        %get3A_421 = arith.index_cast %add3A_418 : i32 to index
        %get3A_422 = arith.constant 16 : index
        %get3A_423 = tpu.vector_load %arg6[%get3A_420, %get3A_421, %get3A_422] {strides = array<i32>} : memref<2x100x128xf32, #tpu.memory_space<vmem>>, vector<1x1x16xf32>,
        %get3A_424 = vector.shape_cast %get3A_423 : vector<1x1x16xf32> to vector<16xf32>
        %mul3A_425 = arith.constant 8.000000e+00 : f32
        %mul3A_426 = vector.broadcast %mul3A_425 : f32 to vector<16xf32>
        %mul3A_427 = arith.mulf %get3A_424, %mul3A_426 : vector<16xf32>
        %swap3A_428 = arith.constant 1 : i32
        %swap3A_429 = arith.constant 1 : i32
        %swap3A_430 = arith.index_cast %swap3A_428 : i32 to index
        %swap3A_431 = arith.index_cast %swap3A_429 : i32 to index
        %swap3A_432 = arith.index_cast %add3A_398 : i32 to index
        %swap3A_433 = arith.constant 16 : index
        %swap3A_434 = tpu.vector_load %arg7[%swap3A_430, %swap3A_431, %swap3A_432, %swap3A_433] {strides = array<i32>} : memref<2x2x50x64xf32, #tpu.memory_space<vmem>>, vector<1x1x1x16xf32>,
        %swap3A_435 = vector.shape_cast %swap3A_434 : vector<1x1x1x16xf32> to vector<16xf32>
        %swap3A_436 = vector.shape_cast %mul3A_427 : vector<16xf32> to vector<1x1x1x16xf32>
        tpu.vector_store %arg7[%swap3A_430, %swap3A_431, %swap3A_432, %swap3A_433], %swap3A_436 {strides = array<i32>} : memref<2x2x50x64xf32, #tpu.memory_space<vmem>>, vector<1x1x1x16xf32>,
        %add3A_437 = arith.constant 50 : i32
        %add3A_438 = arith.addi %add3A_437, %add3A_398 : i32
        %get3A_439 = arith.constant 1 : i32
        %get3A_440 = arith.index_cast %get3A_439 : i32 to index
        %get3A_441 = arith.index_cast %add3A_438 : i32 to index
        %get3A_442 = arith.constant 32 : index
        %get3A_443 = tpu.vector_load %arg6[%get3A_440, %get3A_441, %get3A_442] {strides = array<i32>} : memref<2x100x128xf32, #tpu.memory_space<vmem>>, vector<1x1x16xf32>,
        %get3A_444 = vector.shape_cast %get3A_443 : vector<1x1x16xf32> to vector<16xf32>
        %mul3A_445 = arith.constant 8.000000e+00 : f32
        %mul3A_446 = vector.broadcast %mul3A_445 : f32 to vector<16xf32>
        %mul3A_447 = arith.mulf %get3A_444, %mul3A_446 : vector<16xf32>
        %swap3A_448 = arith.constant 1 : i32
        %swap3A_449 = arith.constant 1 : i32
        %swap3A_450 = arith.index_cast %swap3A_448 : i32 to index
        %swap3A_451 = arith.index_cast %swap3A_449 : i32 to index
        %swap3A_452 = arith.index_cast %add3A_398 : i32 to index
        %swap3A_453 = arith.constant 32 : index
        %swap3A_454 = tpu.vector_load %arg7[%swap3A_450, %swap3A_451, %swap3A_452, %swap3A_453] {strides = array<i32>} : memref<2x2x50x64xf32, #tpu.memory_space<vmem>>, vector<1x1x1x16xf32>,
        %swap3A_455 = vector.shape_cast %swap3A_454 : vector<1x1x1x16xf32> to vector<16xf32>
        %swap3A_456 = vector.shape_cast %mul3A_447 : vector<16xf32> to vector<1x1x1x16xf32>
        tpu.vector_store %arg7[%swap3A_450, %swap3A_451, %swap3A_452, %swap3A_453], %swap3A_456 {strides = array<i32>} : memref<2x2x50x64xf32, #tpu.memory_space<vmem>>, vector<1x1x1x16xf32>,
        %add3A_457 = arith.constant 50 : i32
        %add3A_458 = arith.addi %add3A_457, %add3A_398 : i32
        %get3A_459 = arith.constant 1 : i32
        %get3A_460 = arith.index_cast %get3A_459 : i32 to index
        %get3A_461 = arith.index_cast %add3A_458 : i32 to index
        %get3A_462 = arith.constant 48 : index
        %get3A_463 = tpu.vector_load %arg6[%get3A_460, %get3A_461, %get3A_462] {strides = array<i32>} : memref<2x100x128xf32, #tpu.memory_space<vmem>>, vector<1x1x16xf32>,
        %get3A_464 = vector.shape_cast %get3A_463 : vector<1x1x16xf32> to vector<16xf32>
        %mul3A_465 = arith.constant 8.000000e+00 : f32
        %mul3A_466 = vector.broadcast %mul3A_465 : f32 to vector<16xf32>
        %mul3A_467 = arith.mulf %get3A_464, %mul3A_466 : vector<16xf32>
        %swap3A_468 = arith.constant 1 : i32
        %swap3A_469 = arith.constant 1 : i32
        %swap3A_470 = arith.index_cast %swap3A_468 : i32 to index
        %swap3A_471 = arith.index_cast %swap3A_469 : i32 to index
        %swap3A_472 = arith.index_cast %add3A_398 : i32 to index
        %swap3A_473 = arith.constant 48 : index
        %swap3A_474 = tpu.vector_load %arg7[%swap3A_470, %swap3A_471, %swap3A_472, %swap3A_473] {strides = array<i32>} : memref<2x2x50x64xf32, #tpu.memory_space<vmem>>, vector<1x1x1x16xf32>,
        %swap3A_475 = vector.shape_cast %swap3A_474 : vector<1x1x1x16xf32> to vector<16xf32>
        %swap3A_476 = vector.shape_cast %mul3A_467 : vector<16xf32> to vector<1x1x1x16xf32>
        tpu.vector_store %arg7[%swap3A_470, %swap3A_471, %swap3A_472, %swap3A_473], %swap3A_476 {strides = array<i32>} : memref<2x2x50x64xf32, #tpu.memory_space<vmem>>, vector<1x1x1x16xf32>,
      }
      %scan3A_361 = arith.constant 50 : i32
      %mul3A_362 = arith.constant 256 : i32
      %mul3A_363 = arith.muli %add3A, %mul3A_362 : i32
      %add3A_364 = arith.addi %mul3A_363, %add3A_310 : i32
      %mul3A_365 = arith.constant 2 : i32
      %mul3A_366 = arith.muli %add3A_364, %mul3A_365 : i32
      %dma_start3A_367 = arith.constant 1 : i32
      %dma_start3A_368 = arith.constant 1 : i32
      %dma_start3A_369 = arith.constant 0 : i32
      %dma_start3A_370 = arith.constant 0 : i32
      %dma_start3A_371 = arith.constant 0 : i32
      %dma_start3A_372 = tpu.memref_slice %arg7[%dma_start3A_367, %dma_start3A_369, %dma_start3A_370, %dma_start3A_371] : memref<2x2x50x64xf32, #tpu.memory_space<vmem>> -> memref<1x2x50x64xf32, #tpu.memory_space<vmem>>
      %dma_start3A_373 = tpu.memref_squeeze %dma_start3A_372 : memref<1x2x50x64xf32, #tpu.memory_space<vmem>> -> memref<2x50x64xf32, #tpu.memory_space<vmem>>
      %dma_start3A_374 = arith.constant 0 : i32
      %dma_start3A_375 = arith.constant 0 : i32
      %dma_start3A_376 = tpu.memref_slice %arg4[%mul3A_366, %dma_start3A_374, %dma_start3A_375] : memref<16384x50x64xf32, #tpu.memory_space<hbm>> -> memref<2x50x64xf32, #tpu.memory_space<hbm>>
      %dma_start3A_377 = tpu.memref_slice %arg9[%dma_start3A_368] : memref<2x!tpu.dma_semaphore, #tpu.memory_space<semaphore_mem>> -> memref<1x!tpu.dma_semaphore, #tpu.memory_space<semaphore_mem>>
      %dma_start3A_378 = tpu.memref_squeeze %dma_start3A_377 : memref<1x!tpu.dma_semaphore, #tpu.memory_space<semaphore_mem>> -> memref<!tpu.dma_semaphore, #tpu.memory_space<semaphore_mem>>
      %dma_start3A_379 = arith.constant 0 : i32
      %dma_start3A_380 = arith.constant 0 : i32
      %dma_start3A_381 = tpu.memref_slice %arg4[%mul3A_366, %dma_start3A_379, %dma_start3A_380] : memref<16384x50x64xf32, #tpu.memory_space<hbm>> -> memref<2x50x64xf32, #tpu.memory_space<hbm>>
      %dma_start3A_382 = arith.constant 0 : i32
      %dma_start3A_383 = arith.constant 0 : i32
      %dma_start3A_384 = arith.constant 0 : i32
      %dma_start3A_385 = tpu.memref_slice %arg7[%dma_start3A_367, %dma_start3A_382, %dma_start3A_383, %dma_start3A_384] : memref<2x2x50x64xf32, #tpu.memory_space<vmem>> -> memref<1x2x50x64xf32, #tpu.memory_space<vmem>>
      %dma_start3A_386 = tpu.memref_squeeze %dma_start3A_385 : memref<1x2x50x64xf32, #tpu.memory_space<vmem>> -> memref<2x50x64xf32, #tpu.memory_space<vmem>>
      tpu.enqueue_dma source(%dma_start3A_386 : memref<2x50x64xf32, #tpu.memory_space<vmem>>) target(%dma_start3A_381 : memref<2x50x64xf32, #tpu.memory_space<hbm>>) target_semaphore(%dma_start3A_378 : memref<!tpu.dma_semaphore, #tpu.memory_space<semaphore_mem>>)
      %add3A_387 = arith.constant 2 : i32
      %add3A_388 = arith.addi %add3A_310, %add3A_387 : i32
      %lt3A_389 = arith.constant 256 : i32
      %lt3A_390 = arith.cmpi slt, %add3A_388, %lt3A_389 : i32
      %convert_element_type3A_391 = arith.extui %lt3A_390 : i1 to i32
      %cond3A_392 = arith.constant 0 : i32
      %cond3A_393 = arith.cmpi ne, %convert_element_type3A_391, %cond3A_392 : i32
      scf.if %cond3A_393 {
        %add3A_394 = arith.constant 2 : i32
        %add3A_395 = arith.addi %add3A_310, %add3A_394 : i32
        %dma_start3A_396 = arith.constant 1 : i32
        %dma_start3A_397 = arith.constant 1 : i32
        %dma_start3A_398 = arith.constant 0 : i32
        %dma_start3A_399 = arith.constant 0 : i32
        %dma_start3A_400 = tpu.memref_slice %arg6[%dma_start3A_396, %dma_start3A_398, %dma_start3A_399] : memref<2x100x128xf32, #tpu.memory_space<vmem>> -> memref<1x100x128xf32, #tpu.memory_space<vmem>>
        %dma_start3A_401 = tpu.memref_squeeze %dma_start3A_400 : memref<1x100x128xf32, #tpu.memory_space<vmem>> -> memref<100x128xf32, #tpu.memory_space<vmem>>
        %dma_start3A_402 = arith.constant 0 : i32
        %dma_start3A_403 = tpu.memref_slice %arg5[%add3A_395, %dma_start3A_402] : memref<256x100xi32, #tpu.memory_space<vmem>> -> memref<1x100xi32, #tpu.memory_space<vmem>>
        %dma_start3A_404 = tpu.memref_squeeze %dma_start3A_403 : memref<1x100xi32, #tpu.memory_space<vmem>> -> memref<100xi32, #tpu.memory_space<vmem>>
        %dma_start3A_405 = arith.constant 0 : i32
        %dma_start3A_406 = arith.constant 0 : i32
        %dma_start3A_407 = tpu.memref_slice %arg2[%dma_start3A_405, %dma_start3A_406] : memref<1000000x128xf32, #tpu.memory_space<hbm>> -> memref<1000000x128xf32, #tpu.memory_space<hbm>>
        %dma_start3A_408 = tpu.memref_slice %arg8[%dma_start3A_397] : memref<2x!tpu.dma_semaphore, #tpu.memory_space<semaphore_mem>> -> memref<1x!tpu.dma_semaphore, #tpu.memory_space<semaphore_mem>>
        %dma_start3A_409 = tpu.memref_squeeze %dma_start3A_408 : memref<1x!tpu.dma_semaphore, #tpu.memory_space<semaphore_mem>> -> memref<!tpu.dma_semaphore, #tpu.memory_space<semaphore_mem>>
        tpu.enqueue_indirect_dma source(%dma_start3A_407 : memref<1000000x128xf32, #tpu.memory_space<hbm>>) target(%dma_start3A_401 : memref<100x128xf32, #tpu.memory_space<vmem>>) offsets(%dma_start3A_404 : memref<100xi32, #tpu.memory_space<vmem>>) semaphore(%dma_start3A_409 : memref<!tpu.dma_semaphore, #tpu.memory_space<semaphore_mem>>)
      } else {
      }
    }
    %scan3A_166 = arith.constant 127 : i32
    %mul3A_167 = arith.constant 256 : i32
    %mul3A_168 = arith.muli %add3A, %mul3A_167 : i32
    %add3A_169 = arith.constant 254 : i32
    %add3A_170 = arith.addi %mul3A_168, %add3A_169 : i32
    %mul3A_171 = arith.constant 2 : i32
    %mul3A_172 = arith.muli %add3A_170, %mul3A_171 : i32
    %dma_wait3A_173 = arith.constant 0 : i32
    %dma_wait3A_174 = arith.constant 0 : i32
    %dma_wait3A_175 = arith.constant 0 : i32
    %dma_wait3A_176 = arith.constant 0 : i32
    %dma_wait3A_177 = arith.constant 0 : i32
    %dma_wait3A_178 = tpu.memref_slice %arg7[%dma_wait3A_173, %dma_wait3A_175, %dma_wait3A_176, %dma_wait3A_177] : memref<2x2x50x64xf32, #tpu.memory_space<vmem>> -> memref<1x2x50x64xf32, #tpu.memory_space<vmem>>
    %dma_wait3A_179 = tpu.memref_squeeze %dma_wait3A_178 : memref<1x2x50x64xf32, #tpu.memory_space<vmem>> -> memref<2x50x64xf32, #tpu.memory_space<vmem>>
    %dma_wait3A_180 = arith.constant 0 : i32
    %dma_wait3A_181 = arith.constant 0 : i32
    %dma_wait3A_182 = tpu.memref_slice %arg4[%mul3A_172, %dma_wait3A_180, %dma_wait3A_181] : memref<16384x50x64xf32, #tpu.memory_space<hbm>> -> memref<2x50x64xf32, #tpu.memory_space<hbm>>
    %dma_wait3A_183 = tpu.memref_slice %arg9[%dma_wait3A_174] : memref<2x!tpu.dma_semaphore, #tpu.memory_space<semaphore_mem>> -> memref<1x!tpu.dma_semaphore, #tpu.memory_space<semaphore_mem>>
    %dma_wait3A_184 = tpu.memref_squeeze %dma_wait3A_183 : memref<1x!tpu.dma_semaphore, #tpu.memory_space<semaphore_mem>> -> memref<!tpu.dma_semaphore, #tpu.memory_space<semaphore_mem>>
    %dma_wait3A_185 = arith.constant 0 : i32
    %dma_wait3A_186 = arith.constant 0 : i32
    %dma_wait3A_187 = tpu.memref_slice %arg4[%mul3A_172, %dma_wait3A_185, %dma_wait3A_186] : memref<16384x50x64xf32, #tpu.memory_space<hbm>> -> memref<2x50x64xf32, #tpu.memory_space<hbm>>
    %dma_wait3A_188 = arith.constant 0 : i32
    %dma_wait3A_189 = arith.constant 0 : i32
    %dma_wait3A_190 = arith.constant 0 : i32
    %dma_wait3A_191 = tpu.memref_slice %arg7[%dma_wait3A_173, %dma_wait3A_188, %dma_wait3A_189, %dma_wait3A_190] : memref<2x2x50x64xf32, #tpu.memory_space<vmem>> -> memref<1x2x50x64xf32, #tpu.memory_space<vmem>>
    %dma_wait3A_192 = tpu.memref_squeeze %dma_wait3A_191 : memref<1x2x50x64xf32, #tpu.memory_space<vmem>> -> memref<2x50x64xf32, #tpu.memory_space<vmem>>
    tpu.wait_dma2 semaphore(%dma_wait3A_184 : memref<!tpu.dma_semaphore, #tpu.memory_space<semaphore_mem>>) src(%dma_wait3A_192 : memref<2x50x64xf32, #tpu.memory_space<vmem>>) dst(%dma_wait3A_187 : memref<2x50x64xf32, #tpu.memory_space<hbm>>)
    %mul3A_193 = arith.constant 256 : i32
    %mul3A_194 = arith.muli %add3A, %mul3A_193 : i32
    %add3A_195 = arith.constant 255 : i32
    %add3A_196 = arith.addi %mul3A_194, %add3A_195 : i32
    %mul3A_197 = arith.constant 2 : i32
    %mul3A_198 = arith.muli %add3A_196, %mul3A_197 : i32
    %dma_wait3A_199 = arith.constant 1 : i32
    %dma_wait3A_200 = arith.constant 1 : i32
    %dma_wait3A_201 = arith.constant 0 : i32
    %dma_wait3A_202 = arith.constant 0 : i32
    %dma_wait3A_203 = arith.constant 0 : i32
    %dma_wait3A_204 = tpu.memref_slice %arg7[%dma_wait3A_199, %dma_wait3A_201, %dma_wait3A_202, %dma_wait3A_203] : memref<2x2x50x64xf32, #tpu.memory_space<vmem>> -> memref<1x2x50x64xf32, #tpu.memory_space<vmem>>
    %dma_wait3A_205 = tpu.memref_squeeze %dma_wait3A_204 : memref<1x2x50x64xf32, #tpu.memory_space<vmem>> -> memref<2x50x64xf32, #tpu.memory_space<vmem>>
    %dma_wait3A_206 = arith.constant 0 : i32
    %dma_wait3A_207 = arith.constant 0 : i32
    %dma_wait3A_208 = tpu.memref_slice %arg4[%mul3A_198, %dma_wait3A_206, %dma_wait3A_207] : memref<16384x50x64xf32, #tpu.memory_space<hbm>> -> memref<2x50x64xf32, #tpu.memory_space<hbm>>
    %dma_wait3A_209 = tpu.memref_slice %arg9[%dma_wait3A_200] : memref<2x!tpu.dma_semaphore, #tpu.memory_space<semaphore_mem>> -> memref<1x!tpu.dma_semaphore, #tpu.memory_space<semaphore_mem>>
    %dma_wait3A_210 = tpu.memref_squeeze %dma_wait3A_209 : memref<1x!tpu.dma_semaphore, #tpu.memory_space<semaphore_mem>> -> memref<!tpu.dma_semaphore, #tpu.memory_space<semaphore_mem>>
    %dma_wait3A_211 = arith.constant 0 : i32
    %dma_wait3A_212 = arith.constant 0 : i32
    %dma_wait3A_213 = tpu.memref_slice %arg4[%mul3A_198, %dma_wait3A_211, %dma_wait3A_212] : memref<16384x50x64xf32, #tpu.memory_space<hbm>> -> memref<2x50x64xf32, #tpu.memory_space<hbm>>
    %dma_wait3A_214 = arith.constant 0 : i32
    %dma_wait3A_215 = arith.constant 0 : i32
    %dma_wait3A_216 = arith.constant 0 : i32
    %dma_wait3A_217 = tpu.memref_slice %arg7[%dma_wait3A_199, %dma_wait3A_214, %dma_wait3A_215, %dma_wait3A_216] : memref<2x2x50x64xf32, #tpu.memory_space<vmem>> -> memref<1x2x50x64xf32, #tpu.memory_space<vmem>>
    %dma_wait3A_218 = tpu.memref_squeeze %dma_wait3A_217 : memref<1x2x50x64xf32, #tpu.memory_space<vmem>> -> memref<2x50x64xf32, #tpu.memory_space<vmem>>
    tpu.wait_dma2 semaphore(%dma_wait3A_210 : memref<!tpu.dma_semaphore, #tpu.memory_space<semaphore_mem>>) src(%dma_wait3A_218 : memref<2x50x64xf32, #tpu.memory_space<vmem>>) dst(%dma_wait3A_213 : memref<2x50x64xf32, #tpu.memory_space<hbm>>)
    return
  }
}

</mosaic_0001>

<sc_bundles>
// kernel: kernel.3.cloned.1.call-start
scs
__scs_entry_jumppad:
0x0: {  	(pc) =	sbr.rel $0x88, $3  }
0x1: {  	(tag) =	ssettag $0x0;
	lr =	simm.s32 $0x1  }
0x2: {  	[smem:$0x3F9F] =	sst lr;
	_ =	strace $0xD0000000  }
0x3: {  	_ = 	snop  }
0x4: {  	_ = 	snop  }
0x5: {  	_ = 	snop  }
0x6: {  	_ = 	snop  }
0x7: {  	_ = 	snop  }
__scs_overlays_trampoline_lowered:
0x8: {  	[smem:$0x3FAE] =	sst s0  }
0x9: {  	[smem:$0x3FAF] =	sst s1  }
0xa: {  	[smem:$0x3FB0] =	sst s2  }
0xb: {  	[smem:$0x3FB1] =	sst s3  }
0xc: {  	[smem:$0x3FB2] =	sst s4  }
0xd: {  	[smem:$0x3FB3] =	sst s5  }
0xe: {  	[smem:$0x3FB4] =	sst s6  }
0xf: {  	[smem:$0x3FB5] =	sst s7  }
0x10: {  	[smem:$0x3FB6] =	sst s8  }
0x11: {  	[smem:$0x3FB7] =	sst s9;
	s0 =	simm.s32 @!p0 $0x0  }
0x12: {  	s1 =	sld [smem:$0x3F9D];
	s0 =	simm.s32 @p0 $0x1  }
0x13: {  	[smem:$0x3FB8] =	sst s0;
	s0 =	simm.s32 @!p1 $0x0  }
0x14: {  	s2 =	sld [smem:$0x3F9C];
	s0 =	simm.s32 @p1 $0x1  }
0x15: {  	[smem:$0x3FB9] =	sst s0;
	s0 =	simm.s32 @!p2 $0x0  }
0x16: {  	s3 =	sld [smem:$0x3FDB];
	s0 =	simm.s32 @p2 $0x1  }
0x17: {  	s4 =	simm.s32 $0x1BF5;
	[smem:$0x3FBB] =	sst s0  }
0x18: {  	s0 =	sld [smem:$0x3F9E];
	_ =	swait.ge [sflag:s4], $0x0  }
0x19: {  	s7 =	sld [smem:$0x3F9F]  }
0x1a: {  	s8 =	sadd.s32 $0xFFFFE003, lr  }
0x1b: {  	s9 =	sadd.s32 $0xFFFFFEF7, lr;
	s5 =	simm.s32 $0xFFFFFFFF;
	p2 =	slt.u32 s8, $0xFFFFF086  }
0x1c: {  	p1 =	slt.u32 s9, $0xF7A;
	s5 =	simm.s32 @!p2 $0x0  }
0x1d: {  	s5 =	simm.s32 @p1 $0x1;
	p0 =	seq.s32 s7, s2  }
0x1e: {  	s7 =	smul.u32 @!p0 $0xF7A, s2;
	p2 =	seq.s32 @!p0 s5, $0x0  }
0x1f: {  	s9 =	smul.u32 $0xF7A, s1;
	s8 =	simm.s32 @!p0 $0x1BF5;
	p2 =	por !p2, p0  }
0x20: {  	[sflag:s8] =	ssyncset.s32 @!p0 $0xFFFFF086;
	s6 =	sadd.s32 @!p0 s3, s7;
	s7 =	simm.s32 @!p0 $0x108  }
0x21: {  	s3 =	sadd.s32 s3, s9;
	s6 =	sadd.s32 @!p0 $0x88, s6;
	s7 =	simm.s32 @p2 $0x1082  }
0x22: {  	[simem:s7], [sflag:s8] =	dma.local @!p0 [hbm:s6], $0xF7A  }
0x23: {  	s9 =	sor.u32 $0xD0000000, s2;
	s6 =	simm.s32 $0x108;
	_ =	swait.ge @!p0 [sflag:s8], $0x0  }
0x24: {  	s3 =	sadd.s32 $0x88, s3;
	s6 =	simm.s32 @!p1 $0x1082;
	[sflag:s4] =	ssyncset.s32 $0xFFFFF086  }
0x25: {  	[simem:s6], [sflag:s4] =	dma.local [hbm:s3], $0xF7A  }
0x26: {  	[smem:$0x3F9F] =	sst s1;
	(tag) =	ssettag s2;
	_ =	strace s9  }
0x27: {  	s1 =	sld [smem:$0x3FAF]  }
0x28: {  	s2 =	sld [smem:$0x3FB0]  }
0x29: {  	s4 =	sld [smem:$0x3FB2]  }
0x2a: {  	p0 =	seq.s32 s5, $0x0;
	s5 =	sld [smem:$0x3FB3]  }
0x2b: {  	s6 =	sld [smem:$0x3FB4]  }
0x2c: {  	s7 =	sld [smem:$0x3FB5]  }
0x2d: {  	s3 =	simm.s32 $0x108;
	s8 =	sld [smem:$0x3FB6]  }
0x2e: {  	s3 =	simm.s32 @!p0 $0x1082;
	s9 =	sld [smem:$0x3FB7]  }
0x2f: {  	lr =	sadd.s32 s0, s3;
	s0 =	sld [smem:$0x3FAE]  }
0x30: {  	s3 =	sld [smem:$0x3FB1]  }
0x31: {  	[smem:$0x3FBA] =	sst s10  }
0x32: {  	s10 =	sld [smem:$0x3FB8];
	_ =	sdelay $0x3  }
0x33: {  	p0 =	seq.s32 s10, $0x1;
	s10 =	sld [smem:$0x3FBA];
	_ =	sdelay $0x3  }
0x34: {  	[smem:$0x3FBA] =	sst s10  }
0x35: {  	s10 =	sld [smem:$0x3FB9];
	_ =	sdelay $0x3  }
0x36: {  	p1 =	seq.s32 s10, $0x1;
	s10 =	sld [smem:$0x3FBA];
	_ =	sdelay $0x3  }
0x37: {  	[smem:$0x3FBA] =	sst s10  }
0x38: {  	s10 =	sld [smem:$0x3FBB]  }
0x39: {  	_ = 	snop;
	(pc) =	sbr.ind lr, $3  }
0x3a: {  	_ = 	snop  }
0x3b: {  	_ = 	snop  }
0x3c: {  	p2 =	seq.s32 s10, $0x1;
	s10 =	sld [smem:$0x3FBA]  }
0x3d: {  	_ =	shalt  }
0x3e: {  	_ =	shalt  }
0x3f: {  	_ =	shalt  }
0x40: {  	_ =	shalt  }
0x41: {  	_ =	shalt  }
0x42: {  	_ =	shalt  }
0x43: {  	_ =	shalt  }
0x44: {  	_ =	shalt  }
0x45: {  	_ =	shalt  }
0x46: {  	_ =	shalt  }
0x47: {  	_ =	shalt  }
0x48: {  	_ =	shalt  }
0x49: {  	_ =	shalt  }
0x4a: {  	_ =	shalt  }
0x4b: {  	_ =	shalt  }
0x4c: {  	_ =	shalt  }
0x4d: {  	_ =	shalt  }
0x4e: {  	_ =	shalt  }
0x4f: {  	_ =	shalt  }
0x50: {  	_ =	shalt  }
0x51: {  	_ =	shalt  }
0x52: {  	_ =	shalt  }
0x53: {  	_ =	shalt  }
0x54: {  	_ =	shalt  }
0x55: {  	_ =	shalt  }
0x56: {  	_ =	shalt  }
0x57: {  	_ =	shalt  }
0x58: {  	_ =	shalt  }
0x59: {  	_ =	shalt  }
0x5a: {  	_ =	shalt  }
0x5b: {  	_ =	shalt  }
0x5c: {  	_ =	shalt  }
0x5d: {  	_ =	shalt  }
0x5e: {  	_ =	shalt  }
0x5f: {  	_ =	shalt  }
0x60: {  	_ =	shalt  }
0x61: {  	_ =	shalt  }
0x62: {  	_ =	shalt  }
0x63: {  	_ =	shalt  }
0x64: {  	_ =	shalt  }
0x65: {  	_ =	shalt  }
0x66: {  	_ =	shalt  }
0x67: {  	_ =	shalt  }
0x68: {  	_ =	shalt  }
0x69: {  	_ =	shalt  }
0x6a: {  	_ =	shalt  }
0x6b: {  	_ =	shalt  }
0x6c: {  	_ =	shalt  }
0x6d: {  	_ =	shalt  }
0x6e: {  	_ =	shalt  }
0x6f: {  	_ =	shalt  }
0x70: {  	_ =	shalt  }
0x71: {  	_ =	shalt  }
0x72: {  	_ =	shalt  }
0x73: {  	_ =	shalt  }
0x74: {  	_ =	shalt  }
0x75: {  	_ =	shalt  }
0x76: {  	_ =	shalt  }
0x77: {  	_ =	shalt  }
0x78: {  	_ =	shalt  }
0x79: {  	_ =	shalt  }
0x7a: {  	_ =	shalt  }
0x7b: {  	_ =	shalt  }
0x7c: {  	_ =	shalt  }
0x7d: {  	_ =	shalt  }
0x7e: {  	_ =	shalt  }
0x7f: {  	_ =	shalt  }
0x80: {  	_ =	shalt  }
0x81: {  	_ =	shalt  }
0x82: {  	_ =	shalt  }
0x83: {  	_ =	shalt  }
0x84: {  	_ =	shalt  }
0x85: {  	_ =	shalt  }
0x86: {  	_ =	shalt  }
0x87: {  	_ =	shalt  }
.Lfunc_end0:
.L_simem_size_0:
called_computation_lowered:
.L_overlay_start_0:
0x88: {  	s2 =	sld [smem:$0x3FD9]  }
0x89: {  	s3 =	sld [smem:$0x3FFE];
	_ =	sdelay $0x1  }
0x8a: {  	s1 =	srdreg.scid  }
0x8b: {  	s0 =	sand.u32 $0x1, s1  }
0x8c: {  	s17 =	sshll.u32 s0, $0xA;
	s2 =	sadd.s32 s3, s2  }
0x8d: {  	s2 =	sadd.s32 s2, s17  }
0x8e: {  	[smem:$0x3FC6] =	sst s2  }
0x8f: {  	_ = 	snop  }
0x90: {  	s2 =	sld [smem:$0x3FD0];
	(tm) =	ssettm $0x1  }
0x91: {  	s18 =	sld [smem:$0x3FFB];
	_ =	sdelay $0x3  }
0x92: {  	_ =	strace s18  }
0x93: {  	s3 =	sld [smem:$0x3FFC];
	_ =	sdelay $0x3  }
0x94: {  	_ =	strace s3  }
0x95: {  	s3 =	sld [smem:$0x3FFD];
	_ =	sdelay $0x3  }
0x96: {  	_ =	strace s3  }
0x97: {  	_ =	strace $0x8FFFFFFF  }
0x98: {  	s19 =	sld [smem:$0x3FDB];
	_ =	sdelay $0x1  }
0x99: {  	s4 =	simm.s32 $_scs_section_size  }
0x9a: {  	s5 =	simm.s32 $_size__tile_overlayer_lowered;
	s6 =	simm.s32 $_tile_overlayer_lowered  }
0x9b: {  	s22 =	simm.s32 $0x1BFF;
	s21 =	sshll.u32 s6, $0x1;
	s3 =	sadd.s32 s4, s19  }
0x9c: {  	s7 =	simm.s32 $0x0;
	s20 =	sshll.u32 s5, $0x1;
	s5 =	sadd.s32 s21, s3  }
0x9d: {  	[timem:s7], [sflag:s22] =	dma.local [hbm:s5], s20  }
0x9e: {  	_ =	swait.ge [sflag:s22], s20  }
0x9f: {  	s4 =	ssub.s32 $0x0, s20;
	[sflag:s22] =	ssyncset.done $0x0  }
0xa0: {  	[sflag:s22] =	ssyncadd.s32 s4;
	_ =	sdelay $0x1  }
0xa1: {  	s23 =	simm.s32 $0x1B8B  }
0xa2: {  	_ =	swait.ge [sflag:s23], $0x1  }
0xa3: {  	[sflag:s23] =	ssyncset.done $0x0  }
0xa4: {  	s25 =	simm.s32 $0x1B8E;
	s24 =	sld [smem:$0x3FFE];
	[sflag:s23] =	ssyncadd.s32 $0xFFFFFFFF  }
0xa5: {  	s26 =	simm.s32 $execute0_lowered;
	[smem:$0x3FD2] =	sst s25  }
0xa6: {  	s5 =	sshll.u32 s26, $0x1;
	_ =	strace $0x80000046;
	[dreg:$0x1] =	wrdreg $0xFFFFFFFF  }
0xa7: {  	s28 =	simm.s32 $_size_execute0_lowered;
	s3 =	sadd.s32 s3, s5;
	[dreg:$0x0] =	wrdreg $0x0  }
0xa8: {  	s5 =	sshll.u32 s28, $0x1;
	[dreg:$0x2] =	wrdreg s3  }
0xa9: {  	[dreg:$0x3] =	wrdreg s5  }
0xaa: {  	[dreg:$0x4] =	wrdreg $0xC0  }
0xab: {  	_ =	task [dreg:s7], $0x5FFFF  }
0xac: {  	[dreg:$0x1] =	wrdreg $0xFFFFFFFF  }
0xad: {  	[dreg:$0x0] =	wrdreg $0x60  }
0xae: {  	[dreg:$0x2] =	wrdreg s24  }
0xaf: {  	[dreg:$0x3] =	wrdreg s2  }
0xb0: {  	[dreg:$0x4] =	wrdreg $0x9  }
0xb1: {  	_ =	task.clear_ibuf [dreg:s7], $0x5FFFF;
	_ =	strace $0x90000046  }
0xb2: {  	s29 =	simm.s32 $0x9;
	_ =	strace $0x80000048  }
0xb3: {  	_ =	swait.ge [sflag:s29], $0x1  }
0xb4: {  	[sflag:s29] =	ssyncadd.s32 $0xFFFFFFFF  }
0xb5: {  	_ =	strace $0x90000048  }
0xb6: {  	_ =	sfence  }
0xb7: {  	s30 =	sld [smem:$0x0];
	_ =	sdelay $0x2  }
0xb8: {  	s31 =	sshll.u32 s1, $0xD;
	s1 =	sshrl.u32 s1, $0x2  }
0xb9: {  	s3 =	sand.u32 $0x4000, s31;
	s1 =	sadd.s32 s1, s30  }
0xba: {  	s0 =	sor.u32 s3, s0;
	s1 =	sshll.u32 s1, $0x11  }
0xbb: {  	s0 =	sor.u32 s1, s0  }
0xbc: {  	s0 =	sadd.s32 $0x8F2B, s0  }
0xbd: {  	[sflag:s0] =	ssyncadd.remote.s32 $0x1  }
0xbe: {  	_ =	sfence.sel $0xFFFF  }
0xbf: {  	[dreg:$0x0] =	wrdreg $0xFFFFFFFF;
	(pc) =	sbr.abs _section_cstart, $3  }
0xc0: {  	[dreg:$0x1] =	wrdreg $0xFFFFFFFF  }
0xc1: {  	_ =	task.clear_ibuf [dreg:s7], $0x2FFFF;
	_ =	strace $0x9FFFFFFF  }
0xc2: {  	(tm) =	ssettm $0x7FFFFFFF  }
0xc3: {  	_ =	shalt  }
tec
execute0_lowered:
.L_overlay_start_1:
0x0: {  	(tag) =	ssettag $0x1  }
0x1: {  	s0 =	rddreg [dreg:$0x0]  }
0x2: {  	s1 =	rddreg [dreg:$0x1]  }
0x3: {  	s3 =	srdreg.scid;
	s4 =	stileid.u32;
	s2 =	simm.s32 $0x0  }
0x4: {  	s11 =	simm.s32 $0x5;
	s12 =	simm.s32 $0x64;
	s13 =	simm.s32 $0x8000  }
0x5: {  	s15 =	simm.s32 $0xB400;
	s16 =	simm.s32 $0x1;
	s17 =	simm.s32 $0xE800  }
0x6: {  	s19 =	simm.s32 $0x10400;
	s21 =	simm.s32 $0x2;
	s22 =	simm.s32 $0x12000  }
0x7: {  	s23 =	simm.s32 $0x13C00;
	s24 =	simm.s32 $0x180;
	s25 =	simm.s32 $0x3  }
0x8: {  	s26 =	simm.s32 $0x4;
	s28 =	simm.s32 $0x0;
	s3 =	sand.u32 $0x1, s3  }
0x9: {  	s4 =	sshll.u32 s4, $0x1;
	[smem:$0x7FF] =	sst s2;
	s5 =	ssub.s32 $0x2, s3  }
0xa: {  	s6 =	sor.u32 s3, s4;
	_ =	strace $0x80000047;
	s3 =	sadd.s32 $0xF42A00, s0  }
0xb: {  	s4 =	sadd.s32 $0x600, s0;
	s7 =	sshrl.u32 s5, $0x1;
	s8 =	smul.u32 $0x70000, s6  }
0xc: {  	s31 =	sshll.u32 s6, $0xC;
	s30 =	ssub.s32 s5, s7;
	s5 =	sshll.u32 s6, $0x8  }
0xd: {  	s7 =	sadd.s32 s1, s31;
	s6 =	sadd.s32 s4, s8;
	s9 =	sor.u32 $0x1, s5  }
0xe: {  	s10 =	smax.u32 s30, $0x1;
	s8 =	sadd.s32 $0x700, s6;
	s18 =	sadd.s32 $0x380, s6  }
.LBB2_1:
0xf: {  	[tilespmem:s2], [sflag:$0x5] =	stream.linear.gather [hbm4b:s7+s2], $0x8000, $0x38;
	[tilespmem:$0x15800] =	vst v63  }
0x10: {  	_ =	swait.ge [sflag:s11], $0x8000  }
0x11: {  	[sflag:s11] =	ssyncset.done $0x0  }
0x12: {  	[sflag:s11] =	ssyncadd.s32 $0xFFFF8000  }
0x13: {  	[tilespmem:s13], [sflag:$0x1] =	stream.indirect.gather [hbm4b:s3+s12], $0x80, s2, s12, $0xb8;
	[tilespmem:$0x15800] =	vst v63  }
0x14: {  	s0 =	simm.s32 $0x80  }
0x15: {  	[tilespmem:s15], [sflag:$0x2] =	stream.indirect.gather [hbm4b:s3+s12], $0x80, s0, s12, $0xb8;
	[tilespmem:$0x15800] =	vst v63  }
0x16: {  	_ =	swait.ge [sflag:s16], $0x3200  }
0x17: {  	[sflag:s16] =	ssyncset.done $0x0  }
0x18: {  	s0 =	simm.s32 $0x0;
	[sflag:s16] =	ssyncadd.s32 $0xFFFFCE00  }
0x19: {  	v1 =	vld [tilespmem:s0+$0x8030]  }
0x1a: {  	v2 =	vld [tilespmem:s0+$0x8000]  }
0x1b: {  	v3 =	vld [tilespmem:s0+$0x8010]  }
0x1c: {  	v0 =	vld [tilespmem:s0+$0x8020]  }
0x1d: {  	s1 =	simm.s32 $0x200  }
.LBB2_2:
0x1e: {  	s14 =	sshra.s32 s1, $0x2;
	p0 =	sne.s32 s1, $0x6200;
	s1 =	sadd.s32 $0x200, s1;
	v4 =	vmul.f32 $8.000000000e+00, v1  }
.Ltmp0:
0x1f: {  	v1 =	vld [tilespmem:s14+$0x8030];
	v5 =	vmul.f32 $8.000000000e+00, v2;
	(pc) =	sbr.rel @p0 .LBB2_2-.Ltmp0, $4  }
0x20: {  	v2 =	vld [tilespmem:s14+$0x8000];
	v6 =	vmul.f32 $8.000000000e+00, v3;
	[tilespmem:s0+$0xE830] =	vst v4  }
0x21: {  	v3 =	vld [tilespmem:s14+$0x8010];
	[tilespmem:s0+$0xE800] =	vst v5;
	v4 =	vmul.f32 $8.000000000e+00, v0  }
0x22: {  	v0 =	vld [tilespmem:s14+$0x8020];
	[tilespmem:s0+$0xE810] =	vst v6  }
0x23: {  	[tilespmem:s0+$0xE820] =	vst v4;
	s0 =	smov.u32 s14  }
0x24: {  	v1 =	vmul.f32 $8.000000000e+00, v1  }
0x25: {  	v2 =	vmul.f32 $8.000000000e+00, v2  }
0x26: {  	v3 =	vmul.f32 $8.000000000e+00, v3;
	[tilespmem:s0+$0xE830] =	vst v1  }
0x27: {  	[tilespmem:s0+$0xE800] =	vst v2;
	v0 =	vmul.f32 $8.000000000e+00, v0  }
0x28: {  	[tilespmem:s0+$0xE810] =	vst v3  }
0x29: {  	[tilespmem:s0+$0xE820] =	vst v0;
	s0 =	simm.s32 $0x0  }
0x2a: {  	v1 =	vld [tilespmem:s0+$0x9930]  }
0x2b: {  	v2 =	vld [tilespmem:s0+$0x9900]  }
0x2c: {  	v3 =	vld [tilespmem:s0+$0x9910]  }
0x2d: {  	v0 =	vld [tilespmem:s0+$0x9920]  }
0x2e: {  	s1 =	simm.s32 $0x200  }
.LBB2_4:
0x2f: {  	s14 =	sshra.s32 s1, $0x2;
	p0 =	sne.s32 s1, $0x6200;
	s1 =	sadd.s32 $0x200, s1;
	v4 =	vmul.f32 $8.000000000e+00, v1  }
.Ltmp1:
0x30: {  	v1 =	vld [tilespmem:s14+$0x9930];
	v5 =	vmul.f32 $8.000000000e+00, v2;
	(pc) =	sbr.rel @p0 .LBB2_4-.Ltmp1, $4  }
0x31: {  	v2 =	vld [tilespmem:s14+$0x9900];
	v6 =	vmul.f32 $8.000000000e+00, v3;
	[tilespmem:s0+$0x10430] =	vst v4  }
0x32: {  	v3 =	vld [tilespmem:s14+$0x9910];
	[tilespmem:s0+$0x10400] =	vst v5;
	v4 =	vmul.f32 $8.000000000e+00, v0  }
0x33: {  	v0 =	vld [tilespmem:s14+$0x9920];
	[tilespmem:s0+$0x10410] =	vst v6  }
0x34: {  	[tilespmem:s0+$0x10420] =	vst v4;
	s0 =	smov.u32 s14  }
0x35: {  	v1 =	vmul.f32 $8.000000000e+00, v1  }
0x36: {  	v2 =	vmul.f32 $8.000000000e+00, v2  }
0x37: {  	v3 =	vmul.f32 $8.000000000e+00, v3;
	[tilespmem:s0+$0x10430] =	vst v1  }
0x38: {  	[tilespmem:s0+$0x10400] =	vst v2;
	v0 =	vmul.f32 $8.000000000e+00, v0  }
0x39: {  	[tilespmem:s0+$0x10410] =	vst v3  }
0x3a: {  	s30 =	simm.s32 $0x0;
	[tilespmem:s0+$0x10420] =	vst v0  }
0x3b: {  	[hbm4b:s6+s30] =	stream.linear.scatter [tilespmem:s17], [sflag:$0x3], $0x1900, $0x38;
	[tilespmem:$0x15800] =	vst v63  }
0x3c: {  	_ = 	snop  }
0x3d: {  	[hbm4b:s18+s30] =	stream.linear.scatter [tilespmem:s19], [sflag:$0x3], $0x1900, $0x38;
	[tilespmem:$0x15800] =	vst v63  }
0x3e: {  	s31 =	simm.s32 $0x100  }
0x3f: {  	[tilespmem:s13], [sflag:$0x1] =	stream.indirect.gather [hbm4b:s3+s12], $0x80, s31, s12, $0xb8;
	[tilespmem:$0x15800] =	vst v63  }
0x40: {  	_ =	swait.ge [sflag:s21], $0x3200  }
0x41: {  	[sflag:s21] =	ssyncset.done $0x0  }
0x42: {  	s0 =	simm.s32 $0x0;
	[sflag:s21] =	ssyncadd.s32 $0xFFFFCE00  }
0x43: {  	v1 =	vld [tilespmem:s0+$0xB430]  }
0x44: {  	v2 =	vld [tilespmem:s0+$0xB400]  }
0x45: {  	v3 =	vld [tilespmem:s0+$0xB410]  }
0x46: {  	v0 =	vld [tilespmem:s0+$0xB420]  }
0x47: {  	s1 =	simm.s32 $0x200;
	s29 =	simm.s32 $0x0  }
.LBB2_6:
0x48: {  	s14 =	sshra.s32 s1, $0x2;
	p0 =	sne.s32 s1, $0x6200;
	s1 =	sadd.s32 $0x200, s1;
	v4 =	vmul.f32 $8.000000000e+00, v1  }
.Ltmp2:
0x49: {  	v1 =	vld [tilespmem:s14+$0xB430];
	v5 =	vmul.f32 $8.000000000e+00, v2;
	(pc) =	sbr.rel @p0 .LBB2_6-.Ltmp2, $4  }
0x4a: {  	v2 =	vld [tilespmem:s14+$0xB400];
	v6 =	vmul.f32 $8.000000000e+00, v3;
	[tilespmem:s29+$0x12030] =	vst v4  }
0x4b: {  	v3 =	vld [tilespmem:s14+$0xB410];
	[tilespmem:s29+$0x12000] =	vst v5;
	v4 =	vmul.f32 $8.000000000e+00, v0  }
0x4c: {  	v0 =	vld [tilespmem:s14+$0xB420];
	[tilespmem:s29+$0x12010] =	vst v6  }
0x4d: {  	[tilespmem:s29+$0x12020] =	vst v4;
	s29 =	smov.u32 s14  }
0x4e: {  	v1 =	vmul.f32 $8.000000000e+00, v1  }
0x4f: {  	v2 =	vmul.f32 $8.000000000e+00, v2  }
0x50: {  	v3 =	vmul.f32 $8.000000000e+00, v3;
	[tilespmem:s29+$0x12030] =	vst v1  }
0x51: {  	[tilespmem:s29+$0x12000] =	vst v2;
	v0 =	vmul.f32 $8.000000000e+00, v0  }
0x52: {  	[tilespmem:s29+$0x12010] =	vst v3  }
0x53: {  	[tilespmem:s29+$0x12020] =	vst v0  }
0x54: {  	v1 =	vld [tilespmem:s0+$0xCD30]  }
0x55: {  	v2 =	vld [tilespmem:s0+$0xCD00]  }
0x56: {  	v3 =	vld [tilespmem:s0+$0xCD10]  }
0x57: {  	v0 =	vld [tilespmem:s0+$0xCD20]  }
0x58: {  	s1 =	simm.s32 $0x200  }
.LBB2_8:
0x59: {  	s14 =	sshra.s32 s1, $0x2;
	p0 =	sne.s32 s1, $0x6200;
	s1 =	sadd.s32 $0x200, s1;
	v4 =	vmul.f32 $8.000000000e+00, v1  }
.Ltmp3:
0x5a: {  	v1 =	vld [tilespmem:s14+$0xCD30];
	v5 =	vmul.f32 $8.000000000e+00, v2;
	(pc) =	sbr.rel @p0 .LBB2_8-.Ltmp3, $4  }
0x5b: {  	v2 =	vld [tilespmem:s14+$0xCD00];
	v6 =	vmul.f32 $8.000000000e+00, v3;
	[tilespmem:s0+$0x13C30] =	vst v4  }
0x5c: {  	v3 =	vld [tilespmem:s14+$0xCD10];
	[tilespmem:s0+$0x13C00] =	vst v5;
	v4 =	vmul.f32 $8.000000000e+00, v0  }
0x5d: {  	v0 =	vld [tilespmem:s14+$0xCD20];
	[tilespmem:s0+$0x13C10] =	vst v6  }
0x5e: {  	[tilespmem:s0+$0x13C20] =	vst v4;
	s0 =	smov.u32 s14  }
0x5f: {  	v1 =	vmul.f32 $8.000000000e+00, v1  }
0x60: {  	v2 =	vmul.f32 $8.000000000e+00, v2  }
0x61: {  	v3 =	vmul.f32 $8.000000000e+00, v3;
	[tilespmem:s0+$0x13C30] =	vst v1  }
0x62: {  	[tilespmem:s0+$0x13C00] =	vst v2;
	v0 =	vmul.f32 $8.000000000e+00, v0  }
0x63: {  	[tilespmem:s0+$0x13C10] =	vst v3  }
0x64: {  	s31 =	simm.s32 $0x0;
	[tilespmem:s0+$0x13C20] =	vst v0  }
0x65: {  	[hbm4b:s8+s31] =	stream.linear.scatter [tilespmem:s22], [sflag:$0x4], $0x1900, $0x38;
	[tilespmem:$0x15800] =	vst v63  }
0x66: {  	s30 =	sadd.s32 $0x380, s8  }
0x67: {  	[hbm4b:s30+s31] =	stream.linear.scatter [tilespmem:s23], [sflag:$0x4], $0x1900, $0x38;
	[tilespmem:$0x15800] =	vst v63  }
0x68: {  	_ = 	snop  }
0x69: {  	[tilespmem:s15], [sflag:$0x2] =	stream.indirect.gather [hbm4b:s3+s12], $0x80, s24, s12, $0xb8;
	[tilespmem:$0x15800] =	vst v63  }
.LBB2_10:
0x6a: {  	_ =	swait.ge [sflag:s16], $0x3200  }
0x6b: {  	[sflag:s16] =	ssyncset.done $0x0  }
0x6c: {  	[sflag:s16] =	ssyncadd.s32 $0xFFFFCE00  }
0x6d: {  	_ =	swait.ge [sflag:s25], $0x3200  }
0x6e: {  	[sflag:s25] =	ssyncset.done $0x0  }
0x6f: {  	s0 =	simm.s32 $0x0;
	[sflag:s25] =	ssyncadd.s32 $0xFFFFCE00  }
0x70: {  	v1 =	vld [tilespmem:s0+$0x8030]  }
0x71: {  	v2 =	vld [tilespmem:s0+$0x8000]  }
0x72: {  	v3 =	vld [tilespmem:s0+$0x8010]  }
0x73: {  	v0 =	vld [tilespmem:s0+$0x8020]  }
0x74: {  	s1 =	simm.s32 $0x200  }
.LBB2_11:
0x75: {  	s14 =	sshra.s32 s1, $0x2;
	p0 =	sne.s32 s1, $0x6200;
	s1 =	sadd.s32 $0x200, s1;
	v4 =	vmul.f32 $8.000000000e+00, v1  }
.Ltmp4:
0x76: {  	v1 =	vld [tilespmem:s14+$0x8030];
	v5 =	vmul.f32 $8.000000000e+00, v2;
	(pc) =	sbr.rel @p0 .LBB2_11-.Ltmp4, $4  }
0x77: {  	v2 =	vld [tilespmem:s14+$0x8000];
	v6 =	vmul.f32 $8.000000000e+00, v3;
	[tilespmem:s0+$0xE830] =	vst v4  }
0x78: {  	v3 =	vld [tilespmem:s14+$0x8010];
	[tilespmem:s0+$0xE800] =	vst v5;
	v4 =	vmul.f32 $8.000000000e+00, v0  }
0x79: {  	v0 =	vld [tilespmem:s14+$0x8020];
	[tilespmem:s0+$0xE810] =	vst v6  }
0x7a: {  	[tilespmem:s0+$0xE820] =	vst v4;
	s0 =	smov.u32 s14  }
0x7b: {  	v1 =	vmul.f32 $8.000000000e+00, v1  }
0x7c: {  	v2 =	vmul.f32 $8.000000000e+00, v2  }
0x7d: {  	v3 =	vmul.f32 $8.000000000e+00, v3;
	[tilespmem:s0+$0xE830] =	vst v1  }
0x7e: {  	[tilespmem:s0+$0xE800] =	vst v2;
	v0 =	vmul.f32 $8.000000000e+00, v0  }
0x7f: {  	[tilespmem:s0+$0xE810] =	vst v3  }
0x80: {  	[tilespmem:s0+$0xE820] =	vst v0;
	s0 =	simm.s32 $0x0  }
0x81: {  	v3 =	vld [tilespmem:s0+$0x9930]  }
0x82: {  	v1 =	vld [tilespmem:s0+$0x9900]  }
0x83: {  	v2 =	vld [tilespmem:s0+$0x9910]  }
0x84: {  	v0 =	vld [tilespmem:s0+$0x9920]  }
0x85: {  	s1 =	simm.s32 $0x200  }
.LBB2_13:
0x86: {  	s14 =	sshra.s32 s1, $0x2;
	p0 =	sne.s32 s1, $0x6200;
	s1 =	sadd.s32 $0x200, s1;
	v4 =	vmul.f32 $8.000000000e+00, v3  }
.Ltmp5:
0x87: {  	v3 =	vld [tilespmem:s14+$0x9930];
	v5 =	vmul.f32 $8.000000000e+00, v1;
	(pc) =	sbr.rel @p0 .LBB2_13-.Ltmp5, $4  }
0x88: {  	v1 =	vld [tilespmem:s14+$0x9900];
	v6 =	vmul.f32 $8.000000000e+00, v2;
	[tilespmem:s0+$0x10430] =	vst v4  }
0x89: {  	v2 =	vld [tilespmem:s14+$0x9910];
	[tilespmem:s0+$0x10400] =	vst v5;
	v4 =	vmul.f32 $8.000000000e+00, v0  }
0x8a: {  	v0 =	vld [tilespmem:s14+$0x9920];
	[tilespmem:s0+$0x10410] =	vst v6  }
0x8b: {  	[tilespmem:s0+$0x10420] =	vst v4;
	s0 =	smov.u32 s14  }
0x8c: {  	v3 =	vmul.f32 $8.000000000e+00, v3;
	s29 =	sadd.s32 $0x1, s31  }
0x8d: {  	v1 =	vmul.f32 $8.000000000e+00, v1;
	s30 =	sshll.u32 s29, $0x1  }
0x8e: {  	v2 =	vmul.f32 $8.000000000e+00, v2;
	[tilespmem:s0+$0x10430] =	vst v3;
	s1 =	sadd.s32 s5, s30  }
0x8f: {  	[tilespmem:s0+$0x10400] =	vst v1;
	v0 =	vmul.f32 $8.000000000e+00, v0;
	s1 =	smul.u32 $0x700, s1  }
0x90: {  	[tilespmem:s0+$0x10410] =	vst v2  }
0x91: {  	[tilespmem:s0+$0x10420] =	vst v0;
	s20 =	sadd.s32 s4, s1  }
0x92: {  	[hbm4b:s20+s2] =	stream.linear.scatter [tilespmem:s17], [sflag:$0x3], $0x1900, $0x38;
	[tilespmem:$0x15800] =	vst v63  }
0x93: {  	p0 =	seq.s32 s31, $0x7E;
	s0 =	sadd.s32 $0x380, s20  }
0x94: {  	[hbm4b:s0+s2] =	stream.linear.scatter [tilespmem:s19], [sflag:$0x3], $0x1900, $0x38;
	[tilespmem:$0x15800] =	vst v63  }
0x95: {  	s0 =	sshll.u32 @!p0 s29, $0x8  }
0x96: {  	s31 =	sand.u32 @!p0 $0x3FFFFF00, s0  }
0x97: {  	s14 =	simm.s32 @!p0 $0x8000;
	s1 =	simm.s32 @!p0 $0x64;
	s0 =	sadd.s32 @!p0 $0x100, s31  }
0x98: {  	[tilespmem:s14], [sflag:$0x1] =	stream.indirect.gather @!p0 [hbm4b:s3+s1], $0x80, s0, s1, $0xb8;
	[tilespmem:$0x15800] =	vst v63  }
0x99: {  	_ =	swait.ge [sflag:s21], $0x3200  }
0x9a: {  	[sflag:s21] =	ssyncset.done $0x0  }
0x9b: {  	[sflag:s21] =	ssyncadd.s32 $0xFFFFCE00  }
0x9c: {  	_ =	swait.ge [sflag:s26], $0x3200  }
0x9d: {  	[sflag:s26] =	ssyncset.done $0x0  }
0x9e: {  	s0 =	simm.s32 $0x0;
	[sflag:s26] =	ssyncadd.s32 $0xFFFFCE00  }
0x9f: {  	v1 =	vld [tilespmem:s0+$0xB430]  }
0xa0: {  	v2 =	vld [tilespmem:s0+$0xB400]  }
0xa1: {  	v3 =	vld [tilespmem:s0+$0xB410]  }
0xa2: {  	v0 =	vld [tilespmem:s0+$0xB420]  }
0xa3: {  	s14 =	simm.s32 $0x200;
	s1 =	simm.s32 $0x0  }
.LBB2_15:
0xa4: {  	s20 =	sshra.s32 s14, $0x2;
	p1 =	sne.s32 s14, $0x6200;
	s14 =	sadd.s32 $0x200, s14;
	v4 =	vmul.f32 $8.000000000e+00, v1  }
.Ltmp6:
0xa5: {  	v1 =	vld [tilespmem:s20+$0xB430];
	v5 =	vmul.f32 $8.000000000e+00, v2;
	(pc) =	sbr.rel @p1 .LBB2_15-.Ltmp6, $4  }
0xa6: {  	v2 =	vld [tilespmem:s20+$0xB400];
	v6 =	vmul.f32 $8.000000000e+00, v3;
	[tilespmem:s1+$0x12030] =	vst v4  }
0xa7: {  	v3 =	vld [tilespmem:s20+$0xB410];
	[tilespmem:s1+$0x12000] =	vst v5;
	v4 =	vmul.f32 $8.000000000e+00, v0  }
0xa8: {  	v0 =	vld [tilespmem:s20+$0xB420];
	[tilespmem:s1+$0x12010] =	vst v6  }
0xa9: {  	[tilespmem:s1+$0x12020] =	vst v4;
	s1 =	smov.u32 s20  }
0xaa: {  	v1 =	vmul.f32 $8.000000000e+00, v1  }
0xab: {  	v2 =	vmul.f32 $8.000000000e+00, v2  }
0xac: {  	v3 =	vmul.f32 $8.000000000e+00, v3;
	[tilespmem:s1+$0x12030] =	vst v1  }
0xad: {  	[tilespmem:s1+$0x12000] =	vst v2;
	v0 =	vmul.f32 $8.000000000e+00, v0  }
0xae: {  	[tilespmem:s1+$0x12010] =	vst v3  }
0xaf: {  	[tilespmem:s1+$0x12020] =	vst v0  }
0xb0: {  	v1 =	vld [tilespmem:s0+$0xCD30]  }
0xb1: {  	v2 =	vld [tilespmem:s0+$0xCD00]  }
0xb2: {  	v3 =	vld [tilespmem:s0+$0xCD10]  }
0xb3: {  	v0 =	vld [tilespmem:s0+$0xCD20]  }
0xb4: {  	s1 =	simm.s32 $0x200  }
.LBB2_17:
0xb5: {  	s14 =	sshra.s32 s1, $0x2;
	p1 =	sne.s32 s1, $0x6200;
	s1 =	sadd.s32 $0x200, s1;
	v4 =	vmul.f32 $8.000000000e+00, v1  }
.Ltmp7:
0xb6: {  	v1 =	vld [tilespmem:s14+$0xCD30];
	v5 =	vmul.f32 $8.000000000e+00, v2;
	(pc) =	sbr.rel @p1 .LBB2_17-.Ltmp7, $4  }
0xb7: {  	v2 =	vld [tilespmem:s14+$0xCD00];
	v6 =	vmul.f32 $8.000000000e+00, v3;
	[tilespmem:s0+$0x13C30] =	vst v4  }
0xb8: {  	v3 =	vld [tilespmem:s14+$0xCD10];
	[tilespmem:s0+$0x13C00] =	vst v5;
	v4 =	vmul.f32 $8.000000000e+00, v0  }
0xb9: {  	v0 =	vld [tilespmem:s14+$0xCD20];
	[tilespmem:s0+$0x13C10] =	vst v6  }
0xba: {  	[tilespmem:s0+$0x13C20] =	vst v4;
	s0 =	smov.u32 s14  }
0xbb: {  	v1 =	vmul.f32 $8.000000000e+00, v1  }
0xbc: {  	v2 =	vmul.f32 $8.000000000e+00, v2  }
0xbd: {  	s1 =	sadd.s32 s30, s9;
	v3 =	vmul.f32 $8.000000000e+00, v3;
	[tilespmem:s0+$0x13C30] =	vst v1  }
0xbe: {  	s1 =	smul.u32 $0x700, s1;
	[tilespmem:s0+$0x13C00] =	vst v2;
	v0 =	vmul.f32 $8.000000000e+00, v0  }
0xbf: {  	[tilespmem:s0+$0x13C10] =	vst v3  }
0xc0: {  	s30 =	sadd.s32 s4, s1;
	[tilespmem:s0+$0x13C20] =	vst v0  }
0xc1: {  	[hbm4b:s30+s2] =	stream.linear.scatter [tilespmem:s22], [sflag:$0x4], $0x1900, $0x38;
	[tilespmem:$0x15800] =	vst v63  }
0xc2: {  	s14 =	simm.s32 @!p0 $0xB400;
	s0 =	sadd.s32 $0x380, s30  }
0xc3: {  	[hbm4b:s0+s2] =	stream.linear.scatter [tilespmem:s23], [sflag:$0x4], $0x1900, $0x38;
	[tilespmem:$0x15800] =	vst v63  }
0xc4: {  	p1 =	sne.s32 @!p0 s29, $0x7F;
	s1 =	simm.s32 @!p0 $0x64;
	s0 =	sadd.s32 @!p0 $0x180, s31  }
0xc5: {  	[tilespmem:s14], [sflag:$0x2] =	stream.indirect.gather @!p0 [hbm4b:s3+s1], $0x80, s0, s1, $0xb8;
	[tilespmem:$0x15800] =	vst v63  }
0xc6: {  	p0 =	por p0, !p1  }
.Ltmp8:
0xc7: {  	_ = 	snop;
	(pc) =	sbr.rel @!p0 .LBB2_10-.Ltmp8, $2  }
0xc8: {  	_ =	sdelay $0x2  }
0xc9: {  	s31 =	smov.u32 s29  }
0xca: {  	s28 =	sadd.s32 $0x1, s28  }
0xcb: {  	_ =	swait.ge [sflag:s25], $0x3200;
	p0 =	sne.s32 s28, s10  }
.Ltmp9:
0xcc: {  	[sflag:s25] =	ssyncset.done $0x0;
	(pc) =	sbr.rel @p0 .LBB2_1-.Ltmp9, $4  }
0xcd: {  	[sflag:s25] =	ssyncadd.s32 $0xFFFFCE00  }
0xce: {  	_ =	swait.ge [sflag:s26], $0x3200  }
0xcf: {  	[sflag:s26] =	ssyncset.done $0x0  }
0xd0: {  	[sflag:s26] =	ssyncadd.s32 $0xFFFFCE00  }
0xd1: {  	_ =	sfence.sel $0x180000  }
0xd2: {  	[bflag:$0x0] =	sbarrier.arrive $0xFFFF  }
0xd3: {  	_ =	strace $0x90000047  }
0xd4: {  	s0 =	stileid.u32;
	[bflag:$0x2] =	sbarrier.arrive $0xFFFF  }
0xd5: {  	p0 =	sne.s32 s0, $0x0;
	s0 =	rddreg [dreg:$0x2]  }
0xd6: {  	s0 =	sadd.s32 @!p0 $0x100000, s0  }
0xd7: {  	[sflag:s0] =	ssyncadd.tile.s32 @!p0 $0x1;
	_ =	shalt  }
.Lfunc_end2:
_tile_overlayer_lowered:
.L_overlay_start_2:
0xd8: {  	(tag) =	ssettag $0x2  }
0xd9: {  	s0 =	rddreg [dreg:$0x0];
	s2 =	stileid.u32  }
0xda: {  	s1 =	rddreg [dreg:$0x1];
	p0 =	sne.s32 s2, $0x0  }
0xdb: {  	s3 =	rddreg [dreg:$0x2];
	[bflag:$0x3] =	sbarrier.arrive $0xFFFF;
	s2 =	simm.s32 @!p0 $0x1C05  }
0xdc: {  	[timem:s3], [sflag:s2] =	dma.local @!p0 [hbm:s0], s1  }
0xdd: {  	s0 =	simm.s32 @!p0 $0x5  }
0xde: {  	_ =	swait.ge @!p0 [sflag:s0], s1  }
0xdf: {  	s1 =	ssub.s32 @!p0 $0x0, s1;
	[sflag:s0] =	ssyncset.done @!p0 $0x0  }
0xe0: {  	[sflag:s0] =	ssyncadd.s32 @!p0 s1  }
0xe1: {  	[bflag:$0x3] =	sbarrier.arrive $0xFFFF  }
0xe2: {  	_ =	shalt  }

</sc_bundles>
